<compile_context>
chip_gen: v7x
topology: tpu7x:2x2x1
jax: 0.10.2.dev20260603
libtpu: 0.0.44.dev20260713+nightly
codegen_flags: <defaults>
</compile_context>

<pallas_src>
import functools

import jax
import jax.numpy as jnp
from jax import lax
from jax.experimental import pallas as pl
from jax.experimental.pallas import tpu as pltpu
from jax.experimental.pallas import tpu_sc as plsc

MAX_DEPTH = 20
NUM_DEPTH = MAX_DEPTH + 1
EMB = 128
LANES = 16
W = 112
NUM_CORES = 2
NUM_SUBCORES = 16
NW = NUM_CORES * NUM_SUBCORES


def _build_combined(type_table, depth_table):
    nt, nd = type_table.shape[0], depth_table.shape[0]

    def body(tt_ref, dt_ref, out_ref):
        out_ref[...] = tt_ref[...][:, None, :] + dt_ref[...][None, :, :]

    return pl.pallas_call(
        body,
        out_shape=jax.ShapeDtypeStruct((nt, nd, EMB), jnp.float32),
    )(type_table, depth_table)


def _make_sc_kernel(npad, chunks_per_worker):
    mesh = plsc.VectorSubcoreMesh(core_axis_name="c", subcore_axis_name="s")
    nchunks = npad // W

    @functools.partial(
        pl.kernel,
        out_type=jax.ShapeDtypeStruct((npad, EMB), jnp.float32),
        mesh=mesh,
        scratch_types=[
            pltpu.VMEM((3, W), jnp.int32),
            pltpu.VMEM((3, W), jnp.int32),
            pltpu.VMEM((W,), jnp.int32),
            pltpu.VMEM((W,), jnp.int32),
            pltpu.VMEM((W,), jnp.int32),
            pltpu.VMEM((W,), jnp.int32),
            pltpu.VMEM((W, EMB), jnp.float32),
            pltpu.VMEM((W, EMB), jnp.float32),
            pltpu.VMEM((W, EMB), jnp.float32),
            pltpu.VMEM((W, EMB), jnp.float32),
            pltpu.SemaphoreType.DMA,
            pltpu.SemaphoreType.DMA,
            pltpu.SemaphoreType.DMA,
            pltpu.SemaphoreType.DMA,
            pltpu.SemaphoreType.DMA,
            pltpu.SemaphoreType.DMA,
        ],
    )
    def sc_kernel(idx_hbm, comb_hbm, attr_hbm, out_hbm,
                  raw0, raw1, ic0, ic1, ia0, ia1, cr0, cr1, ar0, ar1,
                  cg0, cg1, ag0, ag1, ws0, ws1):
        raws, ics, ias = (raw0, raw1), (ic0, ic1), (ia0, ia1)
        crs, ars = (cr0, cr1), (ar0, ar1)
        cgs, ags, wss = (cg0, cg1), (ag0, ag1), (ws0, ws1)

        wid = lax.axis_index("s") * NUM_CORES + lax.axis_index("c")
        first = wid * chunks_per_worker

        def prepare(chunk_id, s, wait_write):
            pltpu.sync_copy(idx_hbm.at[chunk_id], raws[s])

            @pl.loop(0, W, step=LANES)
            def _fuse(t):
                sl = pl.ds(t, LANES)
                d = jnp.minimum(raws[s][1, sl], MAX_DEPTH)
                ics[s][sl] = raws[s][0, sl] * NUM_DEPTH + d
                ias[s][sl] = raws[s][2, sl]

            if wait_write:
                pltpu.make_async_copy(
                    crs[s], out_hbm.at[pl.ds(0, W)], wss[s]).wait()
            pltpu.async_copy(comb_hbm.at[ics[s]], crs[s], cgs[s])
            pltpu.async_copy(attr_hbm.at[ias[s]], ars[s], ags[s])

        def finish(chunk_id, s):
            pltpu.make_async_copy(comb_hbm.at[ics[s]], crs[s], cgs[s]).wait()
            pltpu.make_async_copy(attr_hbm.at[ias[s]], ars[s], ags[s]).wait()

            @pl.loop(0, W, step=2)
            def _rows(r):
                for rr in range(2):
                    for t in range(0, EMB, LANES):
                        sl = pl.ds(t, LANES)
                        plsc.addupdate(crs[s].at[r + rr, sl],
                                       ars[s][r + rr, sl])

            pltpu.async_copy(crs[s], out_hbm.at[pl.ds(chunk_id * W, W)],
                             wss[s])

        prepare(first, 0, False)
        prepare(first + 1, 1, False)

        @pl.loop(0, chunks_per_worker - 2, step=2)
        def _main(j):
            for b in range(2):
                finish(first + j + b, b)
                prepare(first + j + b + 2, b, True)

        finish(first + chunks_per_worker - 2, 0)
        finish(first + chunks_per_worker - 1, 1)
        pltpu.make_async_copy(crs[0], out_hbm.at[pl.ds(0, W)], wss[0]).wait()
        pltpu.make_async_copy(crs[1], out_hbm.at[pl.ds(0, W)], wss[1]).wait()

    return sc_kernel


def kernel(x, node_depth, type_table, attribute_table, depth_table):
    n = x.shape[0]
    rows_per_round = NW * W
    chunks_per_worker = -(-n // rows_per_round)
    chunks_per_worker += chunks_per_worker % 2
    npad = rows_per_round * chunks_per_worker
    nchunks = npad // W

    x0 = jnp.pad(x[:, 0].astype(jnp.int32), (0, npad - n))
    x1 = jnp.pad(x[:, 1].astype(jnp.int32), (0, npad - n))
    d = jnp.pad(node_depth.reshape(-1).astype(jnp.int32), (0, npad - n))
    idx = (jnp.stack([x0, d, x1])
           .reshape(3, nchunks, W)
           .transpose(1, 0, 2))

    comb = _build_combined(type_table, depth_table).reshape(-1, EMB)

    sc_kernel = _make_sc_kernel(npad, chunks_per_worker)
    out = sc_kernel(idx, comb, attribute_table)
    return out[:n]

# --- scband reference (transcript-rebuilt; emitter-appended) ---
"""Pipeline reference for scband-astnode-encoder-31318901523130 (READ-ONLY COPY).

The authoritative reference and input builder live on the scoring server;
editing this copy changes nothing except your own understanding.
"""

import jax, jax.numpy as jnp
import numpy as np

MAX_DEPTH = 20
NUM_NODETYPES = 98
NUM_NODEATTRIBUTES = 10030
EMB_DIM = 128
N = 100000

def setup_inputs(seed: int = 0) -> dict:
    key = jax.random.key(seed)
    k1, k2, k3, k4, k5 = jax.random.split(key, 5)
    x = jax.random.randint(k1, (N, 2), 0, 98, dtype=jnp.int64 if jax.config.read('jax_enable_x64') else jnp.int32)
    node_depth = jax.random.randint(k2, (N,), 0, 30, dtype=jnp.int64 if jax.config.read('jax_enable_x64') else jnp.int32)
    type_table = jax.random.normal(k3, (NUM_NODETYPES, EMB_DIM), dtype=jnp.float32)
    attribute_table = jax.random.normal(k4, (NUM_NODEATTRIBUTES, EMB_DIM), dtype=jnp.float32)
    depth_table = jax.random.normal(k5, (MAX_DEPTH + 1, EMB_DIM), dtype=jnp.float32)
    return {"x": x, "node_depth": node_depth, "type_table": type_table, "attribute_table": attribute_table, "depth_table": depth_table}

def reference(x, node_depth, type_table, attribute_table, depth_table):
    depth = node_depth.reshape(-1)
    depth = jnp.where(depth > MAX_DEPTH, MAX_DEPTH, depth)
    out = (jnp.take(type_table, x[:, 0], axis=0)
           + jnp.take(attribute_table, x[:, 1], axis=0)
           + jnp.take(depth_table, depth, axis=0))
    return out

if __name__ == "__main__":
    import jax
    _d = setup_inputs()
    print(jax.jit(kernel)(*tuple(_d.values())))

</pallas_src>

<mosaic_0001>
#map = affine_map<(d0, d1) -> (0, 0, 0)>
#map1 = affine_map<(d0, d1) -> (0, 0)>
module attributes {stable_mosaic.version = 14 : i64} {
  func.func @sc_kernel(%arg0: i32, %arg1: i32, %arg2: memref<896x3x112xi32, #tpu.memory_space<hbm>>, %arg3: memref<2058x128xf32, #tpu.memory_space<hbm>>, %arg4: memref<10030x128xf32, #tpu.memory_space<hbm>>, %arg5: memref<100352x128xf32, #tpu.memory_space<hbm>>, %arg6: memref<3x112xi32, #tpu.memory_space<vmem>>, %arg7: memref<3x112xi32, #tpu.memory_space<vmem>>, %arg8: memref<112xi32, #tpu.memory_space<vmem>>, %arg9: memref<112xi32, #tpu.memory_space<vmem>>, %arg10: memref<112xi32, #tpu.memory_space<vmem>>, %arg11: memref<112xi32, #tpu.memory_space<vmem>>, %arg12: memref<112x128xf32, #tpu.memory_space<vmem>>, %arg13: memref<112x128xf32, #tpu.memory_space<vmem>>, %arg14: memref<112x128xf32, #tpu.memory_space<vmem>>, %arg15: memref<112x128xf32, #tpu.memory_space<vmem>>, %arg16: memref<!tpu.dma_semaphore, #tpu.memory_space<semaphore_mem>>, %arg17: memref<!tpu.dma_semaphore, #tpu.memory_space<semaphore_mem>>, %arg18: memref<!tpu.dma_semaphore, #tpu.memory_space<semaphore_mem>>, %arg19: memref<!tpu.dma_semaphore, #tpu.memory_space<semaphore_mem>>, %arg20: memref<!tpu.dma_semaphore, #tpu.memory_space<semaphore_mem>>, %arg21: memref<!tpu.dma_semaphore, #tpu.memory_space<semaphore_mem>>) attributes {dimension_semantics = [#tpu.dimension_semantics<core_parallel>, #tpu.dimension_semantics<subcore_parallel>], iteration_bounds = array<i64: 2, 16>, scalar_prefetch = 0 : i64, scratch_operands = 16 : i64, tpu.core_type = #tpu.core_type<sc_vector_subcore>, window_params = [{transform_indices = #map}, {transform_indices = #map1}, {transform_indices = #map1}, {transform_indices = #map1}]} {
    %mul3A = arith.constant 2 : i32
    %mul3A_0 = arith.muli %arg1, %mul3A : i32
    %add3A = arith.addi %mul3A_0, %arg0 : i32
    %mul3A_1 = arith.constant 28 : i32
    %mul3A_2 = arith.muli %add3A, %mul3A_1 : i32
    "tpu.region"() ({
      %run_scoped3A = tpu.sem_alloc : memref<!tpu.dma_semaphore, #tpu.memory_space<semaphore_mem>>
      %dma_start3A_82 = arith.constant 0 : i32
      %dma_start3A_83 = arith.constant 0 : i32
      %dma_start3A_84 = tpu.memref_slice %arg2[%mul3A_2, %dma_start3A_82, %dma_start3A_83] : memref<896x3x112xi32, #tpu.memory_space<hbm>> -> memref<1x3x112xi32, #tpu.memory_space<hbm>>
      %dma_start3A_85 = tpu.memref_squeeze %dma_start3A_84 : memref<1x3x112xi32, #tpu.memory_space<hbm>> -> memref<3x112xi32, #tpu.memory_space<hbm>>
      %dma_start3A_86 = arith.constant 0 : i32
      %dma_start3A_87 = arith.constant 0 : i32
      %dma_start3A_88 = tpu.memref_slice %arg2[%mul3A_2, %dma_start3A_86, %dma_start3A_87] : memref<896x3x112xi32, #tpu.memory_space<hbm>> -> memref<1x3x112xi32, #tpu.memory_space<hbm>>
      %dma_start3A_89 = tpu.memref_squeeze %dma_start3A_88 : memref<1x3x112xi32, #tpu.memory_space<hbm>> -> memref<3x112xi32, #tpu.memory_space<hbm>>
      tpu.enqueue_dma source(%dma_start3A_89 : memref<3x112xi32, #tpu.memory_space<hbm>>) target(%arg6 : memref<3x112xi32, #tpu.memory_space<vmem>>) target_semaphore(%run_scoped3A : memref<!tpu.dma_semaphore, #tpu.memory_space<semaphore_mem>>)
      %dma_wait3A_90 = arith.constant 0 : i32
      %dma_wait3A_91 = arith.constant 0 : i32
      %dma_wait3A_92 = tpu.memref_slice %arg2[%mul3A_2, %dma_wait3A_90, %dma_wait3A_91] : memref<896x3x112xi32, #tpu.memory_space<hbm>> -> memref<1x3x112xi32, #tpu.memory_space<hbm>>
      %dma_wait3A_93 = tpu.memref_squeeze %dma_wait3A_92 : memref<1x3x112xi32, #tpu.memory_space<hbm>> -> memref<3x112xi32, #tpu.memory_space<hbm>>
      %dma_wait3A_94 = arith.constant 0 : i32
      %dma_wait3A_95 = arith.constant 0 : i32
      %dma_wait3A_96 = tpu.memref_slice %arg2[%mul3A_2, %dma_wait3A_94, %dma_wait3A_95] : memref<896x3x112xi32, #tpu.memory_space<hbm>> -> memref<1x3x112xi32, #tpu.memory_space<hbm>>
      %dma_wait3A_97 = tpu.memref_squeeze %dma_wait3A_96 : memref<1x3x112xi32, #tpu.memory_space<hbm>> -> memref<3x112xi32, #tpu.memory_space<hbm>>
      tpu.wait_dma2 semaphore(%run_scoped3A : memref<!tpu.dma_semaphore, #tpu.memory_space<semaphore_mem>>) src(%dma_wait3A_97 : memref<3x112xi32, #tpu.memory_space<hbm>>) dst(%arg6 : memref<3x112xi32, #tpu.memory_space<vmem>>)
      tpu.yield
    }) : () -> ()
    %scan3A = arith.constant 0 : i32
    %scan3A_3 = arith.constant 7 : i32
    %scan3A_4 = arith.addi %scan3A, %scan3A_3 : i32
    %scan3A_5 = arith.constant 1 : i32
    scf.for %scan3A_82 = %scan3A to %scan3A_4 step %scan3A_5  : i32 {
      %mul3A_83 = arith.constant 16 : i32
      %mul3A_84 = arith.muli %scan3A_82, %mul3A_83 : i32
      %add3A_85 = arith.constant 0 : i32
      %add3A_86 = arith.addi %add3A_85, %mul3A_84 : i32
      %get3A = arith.constant 1 : i32
      %get3A_87 = arith.index_cast %get3A : i32 to index
      %get3A_88 = arith.index_cast %add3A_86 : i32 to index
      %get3A_89 = tpu.vector_load %arg6[%get3A_87, %get3A_88] {strides = array<i32>} : memref<3x112xi32, #tpu.memory_space<vmem>>, vector<1x16xi32>,
      %get3A_90 = vector.shape_cast %get3A_89 : vector<1x16xi32> to vector<16xi32>
      %min3A = arith.constant 20 : i32
      %min3A_91 = vector.broadcast %min3A : i32 to vector<16xi32>
      %min3A_92 = arith.minsi %get3A_90, %min3A_91 : vector<16xi32>
      %get3A_93 = arith.constant 0 : i32
      %get3A_94 = arith.index_cast %get3A_93 : i32 to index
      %get3A_95 = arith.index_cast %add3A_86 : i32 to index
      %get3A_96 = tpu.vector_load %arg6[%get3A_94, %get3A_95] {strides = array<i32>} : memref<3x112xi32, #tpu.memory_space<vmem>>, vector<1x16xi32>,
      %get3A_97 = vector.shape_cast %get3A_96 : vector<1x16xi32> to vector<16xi32>
      %mul3A_98 = arith.constant 21 : i32
      %mul3A_99 = vector.broadcast %mul3A_98 : i32 to vector<16xi32>
      %mul3A_100 = arith.muli %get3A_97, %mul3A_99 : vector<16xi32>
      %add3A_101 = arith.addi %mul3A_100, %min3A_92 : vector<16xi32>
      %swap3A = arith.index_cast %add3A_86 : i32 to index
      %swap3A_102 = tpu.vector_load %arg8[%swap3A] {strides = array<i32>} : memref<112xi32, #tpu.memory_space<vmem>>, vector<16xi32>,
      %swap3A_103 = vector.shape_cast %swap3A_102 : vector<16xi32> to vector<16xi32>
      %swap3A_104 = vector.shape_cast %add3A_101 : vector<16xi32> to vector<16xi32>
      tpu.vector_store %arg8[%swap3A], %swap3A_104 {strides = array<i32>} : memref<112xi32, #tpu.memory_space<vmem>>, vector<16xi32>,
      %get3A_105 = arith.constant 2 : i32
      %get3A_106 = arith.index_cast %get3A_105 : i32 to index
      %get3A_107 = arith.index_cast %add3A_86 : i32 to index
      %get3A_108 = tpu.vector_load %arg6[%get3A_106, %get3A_107] {strides = array<i32>} : memref<3x112xi32, #tpu.memory_space<vmem>>, vector<1x16xi32>,
      %get3A_109 = vector.shape_cast %get3A_108 : vector<1x16xi32> to vector<16xi32>
      %swap3A_110 = arith.index_cast %add3A_86 : i32 to index
      %swap3A_111 = tpu.vector_load %arg10[%swap3A_110] {strides = array<i32>} : memref<112xi32, #tpu.memory_space<vmem>>, vector<16xi32>,
      %swap3A_112 = vector.shape_cast %swap3A_111 : vector<16xi32> to vector<16xi32>
      %swap3A_113 = vector.shape_cast %get3A_109 : vector<16xi32> to vector<16xi32>
      tpu.vector_store %arg10[%swap3A_110], %swap3A_113 {strides = array<i32>} : memref<112xi32, #tpu.memory_space<vmem>>, vector<16xi32>,
    }
    %scan3A_6 = arith.constant 7 : i32
    %dma_start3A = arith.constant 0 : i32
    %dma_start3A_7 = arith.constant 0 : i32
    %dma_start3A_8 = tpu.memref_slice %arg3[%dma_start3A, %dma_start3A_7] : memref<2058x128xf32, #tpu.memory_space<hbm>> -> memref<2058x128xf32, #tpu.memory_space<hbm>>
    tpu.enqueue_indirect_dma source(%dma_start3A_8 : memref<2058x128xf32, #tpu.memory_space<hbm>>) target(%arg12 : memref<112x128xf32, #tpu.memory_space<vmem>>) offsets(%arg8 : memref<112xi32, #tpu.memory_space<vmem>>) semaphore(%arg16 : memref<!tpu.dma_semaphore, #tpu.memory_space<semaphore_mem>>)
    %dma_start3A_9 = arith.constant 0 : i32
    %dma_start3A_10 = arith.constant 0 : i32
    %dma_start3A_11 = tpu.memref_slice %arg4[%dma_start3A_9, %dma_start3A_10] : memref<10030x128xf32, #tpu.memory_space<hbm>> -> memref<10030x128xf32, #tpu.memory_space<hbm>>
    tpu.enqueue_indirect_dma source(%dma_start3A_11 : memref<10030x128xf32, #tpu.memory_space<hbm>>) target(%arg14 : memref<112x128xf32, #tpu.memory_space<vmem>>) offsets(%arg10 : memref<112xi32, #tpu.memory_space<vmem>>) semaphore(%arg18 : memref<!tpu.dma_semaphore, #tpu.memory_space<semaphore_mem>>)
    %add3A_12 = arith.constant 1 : i32
    %add3A_13 = arith.addi %mul3A_2, %add3A_12 : i32
    "tpu.region"() ({
      %run_scoped3A = tpu.sem_alloc : memref<!tpu.dma_semaphore, #tpu.memory_space<semaphore_mem>>
      %dma_start3A_82 = arith.constant 0 : i32
      %dma_start3A_83 = arith.constant 0 : i32
      %dma_start3A_84 = tpu.memref_slice %arg2[%add3A_13, %dma_start3A_82, %dma_start3A_83] : memref<896x3x112xi32, #tpu.memory_space<hbm>> -> memref<1x3x112xi32, #tpu.memory_space<hbm>>
      %dma_start3A_85 = tpu.memref_squeeze %dma_start3A_84 : memref<1x3x112xi32, #tpu.memory_space<hbm>> -> memref<3x112xi32, #tpu.memory_space<hbm>>
      %dma_start3A_86 = arith.constant 0 : i32
      %dma_start3A_87 = arith.constant 0 : i32
      %dma_start3A_88 = tpu.memref_slice %arg2[%add3A_13, %dma_start3A_86, %dma_start3A_87] : memref<896x3x112xi32, #tpu.memory_space<hbm>> -> memref<1x3x112xi32, #tpu.memory_space<hbm>>
      %dma_start3A_89 = tpu.memref_squeeze %dma_start3A_88 : memref<1x3x112xi32, #tpu.memory_space<hbm>> -> memref<3x112xi32, #tpu.memory_space<hbm>>
      tpu.enqueue_dma source(%dma_start3A_89 : memref<3x112xi32, #tpu.memory_space<hbm>>) target(%arg7 : memref<3x112xi32, #tpu.memory_space<vmem>>) target_semaphore(%run_scoped3A : memref<!tpu.dma_semaphore, #tpu.memory_space<semaphore_mem>>)
      %dma_wait3A_90 = arith.constant 0 : i32
      %dma_wait3A_91 = arith.constant 0 : i32
      %dma_wait3A_92 = tpu.memref_slice %arg2[%add3A_13, %dma_wait3A_90, %dma_wait3A_91] : memref<896x3x112xi32, #tpu.memory_space<hbm>> -> memref<1x3x112xi32, #tpu.memory_space<hbm>>
      %dma_wait3A_93 = tpu.memref_squeeze %dma_wait3A_92 : memref<1x3x112xi32, #tpu.memory_space<hbm>> -> memref<3x112xi32, #tpu.memory_space<hbm>>
      %dma_wait3A_94 = arith.constant 0 : i32
      %dma_wait3A_95 = arith.constant 0 : i32
      %dma_wait3A_96 = tpu.memref_slice %arg2[%add3A_13, %dma_wait3A_94, %dma_wait3A_95] : memref<896x3x112xi32, #tpu.memory_space<hbm>> -> memref<1x3x112xi32, #tpu.memory_space<hbm>>
      %dma_wait3A_97 = tpu.memref_squeeze %dma_wait3A_96 : memref<1x3x112xi32, #tpu.memory_space<hbm>> -> memref<3x112xi32, #tpu.memory_space<hbm>>
      tpu.wait_dma2 semaphore(%run_scoped3A : memref<!tpu.dma_semaphore, #tpu.memory_space<semaphore_mem>>) src(%dma_wait3A_97 : memref<3x112xi32, #tpu.memory_space<hbm>>) dst(%arg7 : memref<3x112xi32, #tpu.memory_space<vmem>>)
      tpu.yield
    }) : () -> ()
    %scan3A_14 = arith.constant 0 : i32
    %scan3A_15 = arith.constant 7 : i32
    %scan3A_16 = arith.addi %scan3A_14, %scan3A_15 : i32
    %scan3A_17 = arith.constant 1 : i32
    scf.for %scan3A_82 = %scan3A_14 to %scan3A_16 step %scan3A_17  : i32 {
      %mul3A_83 = arith.constant 16 : i32
      %mul3A_84 = arith.muli %scan3A_82, %mul3A_83 : i32
      %add3A_85 = arith.constant 0 : i32
      %add3A_86 = arith.addi %add3A_85, %mul3A_84 : i32
      %get3A = arith.constant 1 : i32
      %get3A_87 = arith.index_cast %get3A : i32 to index
      %get3A_88 = arith.index_cast %add3A_86 : i32 to index
      %get3A_89 = tpu.vector_load %arg7[%get3A_87, %get3A_88] {strides = array<i32>} : memref<3x112xi32, #tpu.memory_space<vmem>>, vector<1x16xi32>,
      %get3A_90 = vector.shape_cast %get3A_89 : vector<1x16xi32> to vector<16xi32>
      %min3A = arith.constant 20 : i32
      %min3A_91 = vector.broadcast %min3A : i32 to vector<16xi32>
      %min3A_92 = arith.minsi %get3A_90, %min3A_91 : vector<16xi32>
      %get3A_93 = arith.constant 0 : i32
      %get3A_94 = arith.index_cast %get3A_93 : i32 to index
      %get3A_95 = arith.index_cast %add3A_86 : i32 to index
      %get3A_96 = tpu.vector_load %arg7[%get3A_94, %get3A_95] {strides = array<i32>} : memref<3x112xi32, #tpu.memory_space<vmem>>, vector<1x16xi32>,
      %get3A_97 = vector.shape_cast %get3A_96 : vector<1x16xi32> to vector<16xi32>
      %mul3A_98 = arith.constant 21 : i32
      %mul3A_99 = vector.broadcast %mul3A_98 : i32 to vector<16xi32>
      %mul3A_100 = arith.muli %get3A_97, %mul3A_99 : vector<16xi32>
      %add3A_101 = arith.addi %mul3A_100, %min3A_92 : vector<16xi32>
      %swap3A = arith.index_cast %add3A_86 : i32 to index
      %swap3A_102 = tpu.vector_load %arg9[%swap3A] {strides = array<i32>} : memref<112xi32, #tpu.memory_space<vmem>>, vector<16xi32>,
      %swap3A_103 = vector.shape_cast %swap3A_102 : vector<16xi32> to vector<16xi32>
      %swap3A_104 = vector.shape_cast %add3A_101 : vector<16xi32> to vector<16xi32>
      tpu.vector_store %arg9[%swap3A], %swap3A_104 {strides = array<i32>} : memref<112xi32, #tpu.memory_space<vmem>>, vector<16xi32>,
      %get3A_105 = arith.constant 2 : i32
      %get3A_106 = arith.index_cast %get3A_105 : i32 to index
      %get3A_107 = arith.index_cast %add3A_86 : i32 to index
      %get3A_108 = tpu.vector_load %arg7[%get3A_106, %get3A_107] {strides = array<i32>} : memref<3x112xi32, #tpu.memory_space<vmem>>, vector<1x16xi32>,
      %get3A_109 = vector.shape_cast %get3A_108 : vector<1x16xi32> to vector<16xi32>
      %swap3A_110 = arith.index_cast %add3A_86 : i32 to index
      %swap3A_111 = tpu.vector_load %arg11[%swap3A_110] {strides = array<i32>} : memref<112xi32, #tpu.memory_space<vmem>>, vector<16xi32>,
      %swap3A_112 = vector.shape_cast %swap3A_111 : vector<16xi32> to vector<16xi32>
      %swap3A_113 = vector.shape_cast %get3A_109 : vector<16xi32> to vector<16xi32>
      tpu.vector_store %arg11[%swap3A_110], %swap3A_113 {strides = array<i32>} : memref<112xi32, #tpu.memory_space<vmem>>, vector<16xi32>,
    }
    %scan3A_18 = arith.constant 7 : i32
    %dma_start3A_19 = arith.constant 0 : i32
    %dma_start3A_20 = arith.constant 0 : i32
    %dma_start3A_21 = tpu.memref_slice %arg3[%dma_start3A_19, %dma_start3A_20] : memref<2058x128xf32, #tpu.memory_space<hbm>> -> memref<2058x128xf32, #tpu.memory_space<hbm>>
    tpu.enqueue_indirect_dma source(%dma_start3A_21 : memref<2058x128xf32, #tpu.memory_space<hbm>>) target(%arg13 : memref<112x128xf32, #tpu.memory_space<vmem>>) offsets(%arg9 : memref<112xi32, #tpu.memory_space<vmem>>) semaphore(%arg17 : memref<!tpu.dma_semaphore, #tpu.memory_space<semaphore_mem>>)
    %dma_start3A_22 = arith.constant 0 : i32
    %dma_start3A_23 = arith.constant 0 : i32
    %dma_start3A_24 = tpu.memref_slice %arg4[%dma_start3A_22, %dma_start3A_23] : memref<10030x128xf32, #tpu.memory_space<hbm>> -> memref<10030x128xf32, #tpu.memory_space<hbm>>
    tpu.enqueue_indirect_dma source(%dma_start3A_24 : memref<10030x128xf32, #tpu.memory_space<hbm>>) target(%arg15 : memref<112x128xf32, #tpu.memory_space<vmem>>) offsets(%arg11 : memref<112xi32, #tpu.memory_space<vmem>>) semaphore(%arg19 : memref<!tpu.dma_semaphore, #tpu.memory_space<semaphore_mem>>)
    %scan3A_25 = arith.constant 0 : i32
    %scan3A_26 = arith.constant 13 : i32
    %scan3A_27 = arith.addi %scan3A_25, %scan3A_26 : i32
    %scan3A_28 = arith.constant 1 : i32
    scf.for %scan3A_82 = %scan3A_25 to %scan3A_27 step %scan3A_28  : i32 {
      %mul3A_83 = arith.constant 2 : i32
      %mul3A_84 = arith.muli %scan3A_82, %mul3A_83 : i32
      %add3A_85 = arith.constant 0 : i32
      %add3A_86 = arith.addi %add3A_85, %mul3A_84 : i32
      %add3A_87 = arith.addi %mul3A_2, %add3A_86 : i32
      %add3A_88 = arith.constant 0 : i32
      %add3A_89 = arith.addi %add3A_87, %add3A_88 : i32
      %dma_wait3A_90 = arith.constant 0 : i32
      %dma_wait3A_91 = arith.constant 0 : i32
      %dma_wait3A_92 = tpu.memref_slice %arg3[%dma_wait3A_90, %dma_wait3A_91] : memref<2058x128xf32, #tpu.memory_space<hbm>> -> memref<2058x128xf32, #tpu.memory_space<hbm>>
      tpu.wait_indirect_dma semaphore(%arg16 : memref<!tpu.dma_semaphore, #tpu.memory_space<semaphore_mem>>) src(%dma_wait3A_92 : memref<2058x128xf32, #tpu.memory_space<hbm>>) dst(%arg12 : memref<112x128xf32, #tpu.memory_space<vmem>>)
      %dma_wait3A_93 = arith.constant 0 : i32
      %dma_wait3A_94 = arith.constant 0 : i32
      %dma_wait3A_95 = tpu.memref_slice %arg4[%dma_wait3A_93, %dma_wait3A_94] : memref<10030x128xf32, #tpu.memory_space<hbm>> -> memref<10030x128xf32, #tpu.memory_space<hbm>>
      tpu.wait_indirect_dma semaphore(%arg18 : memref<!tpu.dma_semaphore, #tpu.memory_space<semaphore_mem>>) src(%dma_wait3A_95 : memref<10030x128xf32, #tpu.memory_space<hbm>>) dst(%arg14 : memref<112x128xf32, #tpu.memory_space<vmem>>)
      %scan3A_96 = arith.constant 0 : i32
      %scan3A_97 = arith.constant 56 : i32
      %scan3A_98 = arith.addi %scan3A_96, %scan3A_97 : i32
      %scan3A_99 = arith.constant 1 : i32
      scf.for %scan3A_171 = %scan3A_96 to %scan3A_98 step %scan3A_99  : i32 {
        %mul3A_172 = arith.constant 2 : i32
        %mul3A_173 = arith.muli %scan3A_171, %mul3A_172 : i32
        %add3A_174 = arith.constant 0 : i32
        %add3A_175 = arith.addi %add3A_174, %mul3A_173 : i32
        %add3A_176 = arith.constant 0 : i32
        %add3A_177 = arith.addi %add3A_175, %add3A_176 : i32
        %add3A_178 = arith.constant 0 : i32
        %add3A_179 = arith.addi %add3A_175, %add3A_178 : i32
        %get3A = arith.index_cast %add3A_179 : i32 to index
        %get3A_180 = arith.constant 0 : index
        %get3A_181 = tpu.vector_load %arg14[%get3A, %get3A_180] {strides = array<i32>} : memref<112x128xf32, #tpu.memory_space<vmem>>, vector<1x16xf32>,
        %get3A_182 = vector.shape_cast %get3A_181 : vector<1x16xf32> to vector<16xf32>
        %swap3A = arith.index_cast %add3A_177 : i32 to index
        %swap3A_183 = arith.constant 0 : index
        %swap3A_184 = tpu.vector_load %arg12[%swap3A, %swap3A_183] {strides = array<i32>} : memref<112x128xf32, #tpu.memory_space<vmem>>, vector<1x16xf32>,
        %swap3A_185 = vector.shape_cast %swap3A_184 : vector<1x16xf32> to vector<16xf32>
        %swap3A_186 = vector.shape_cast %get3A_182 : vector<16xf32> to vector<1x16xf32>
        tpu.vector_store %arg12[%swap3A, %swap3A_183], %swap3A_186 {add = true, strides = array<i32>} : memref<112x128xf32, #tpu.memory_space<vmem>>, vector<1x16xf32>,
        %add3A_187 = arith.constant 0 : i32
        %add3A_188 = arith.addi %add3A_175, %add3A_187 : i32
        %add3A_189 = arith.constant 0 : i32
        %add3A_190 = arith.addi %add3A_175, %add3A_189 : i32
        %get3A_191 = arith.index_cast %add3A_190 : i32 to index
        %get3A_192 = arith.constant 16 : index
        %get3A_193 = tpu.vector_load %arg14[%get3A_191, %get3A_192] {strides = array<i32>} : memref<112x128xf32, #tpu.memory_space<vmem>>, vector<1x16xf32>,
        %get3A_194 = vector.shape_cast %get3A_193 : vector<1x16xf32> to vector<16xf32>
        %swap3A_195 = arith.index_cast %add3A_188 : i32 to index
        %swap3A_196 = arith.constant 16 : index
        %swap3A_197 = tpu.vector_load %arg12[%swap3A_195, %swap3A_196] {strides = array<i32>} : memref<112x128xf32, #tpu.memory_space<vmem>>, vector<1x16xf32>,
        %swap3A_198 = vector.shape_cast %swap3A_197 : vector<1x16xf32> to vector<16xf32>
        %swap3A_199 = vector.shape_cast %get3A_194 : vector<16xf32> to vector<1x16xf32>
        tpu.vector_store %arg12[%swap3A_195, %swap3A_196], %swap3A_199 {add = true, strides = array<i32>} : memref<112x128xf32, #tpu.memory_space<vmem>>, vector<1x16xf32>,
        %add3A_200 = arith.constant 0 : i32
        %add3A_201 = arith.addi %add3A_175, %add3A_200 : i32
        %add3A_202 = arith.constant 0 : i32
        %add3A_203 = arith.addi %add3A_175, %add3A_202 : i32
        %get3A_204 = arith.index_cast %add3A_203 : i32 to index
        %get3A_205 = arith.constant 32 : index
        %get3A_206 = tpu.vector_load %arg14[%get3A_204, %get3A_205] {strides = array<i32>} : memref<112x128xf32, #tpu.memory_space<vmem>>, vector<1x16xf32>,
        %get3A_207 = vector.shape_cast %get3A_206 : vector<1x16xf32> to vector<16xf32>
        %swap3A_208 = arith.index_cast %add3A_201 : i32 to index
        %swap3A_209 = arith.constant 32 : index
        %swap3A_210 = tpu.vector_load %arg12[%swap3A_208, %swap3A_209] {strides = array<i32>} : memref<112x128xf32, #tpu.memory_space<vmem>>, vector<1x16xf32>,
        %swap3A_211 = vector.shape_cast %swap3A_210 : vector<1x16xf32> to vector<16xf32>
        %swap3A_212 = vector.shape_cast %get3A_207 : vector<16xf32> to vector<1x16xf32>
        tpu.vector_store %arg12[%swap3A_208, %swap3A_209], %swap3A_212 {add = true, strides = array<i32>} : memref<112x128xf32, #tpu.memory_space<vmem>>, vector<1x16xf32>,
        %add3A_213 = arith.constant 0 : i32
        %add3A_214 = arith.addi %add3A_175, %add3A_213 : i32
        %add3A_215 = arith.constant 0 : i32
        %add3A_216 = arith.addi %add3A_175, %add3A_215 : i32
        %get3A_217 = arith.index_cast %add3A_216 : i32 to index
        %get3A_218 = arith.constant 48 : index
        %get3A_219 = tpu.vector_load %arg14[%get3A_217, %get3A_218] {strides = array<i32>} : memref<112x128xf32, #tpu.memory_space<vmem>>, vector<1x16xf32>,
        %get3A_220 = vector.shape_cast %get3A_219 : vector<1x16xf32> to vector<16xf32>
        %swap3A_221 = arith.index_cast %add3A_214 : i32 to index
        %swap3A_222 = arith.constant 48 : index
        %swap3A_223 = tpu.vector_load %arg12[%swap3A_221, %swap3A_222] {strides = array<i32>} : memref<112x128xf32, #tpu.memory_space<vmem>>, vector<1x16xf32>,
        %swap3A_224 = vector.shape_cast %swap3A_223 : vector<1x16xf32> to vector<16xf32>
        %swap3A_225 = vector.shape_cast %get3A_220 : vector<16xf32> to vector<1x16xf32>
        tpu.vector_store %arg12[%swap3A_221, %swap3A_222], %swap3A_225 {add = true, strides = array<i32>} : memref<112x128xf32, #tpu.memory_space<vmem>>, vector<1x16xf32>,
        %add3A_226 = arith.constant 0 : i32
        %add3A_227 = arith.addi %add3A_175, %add3A_226 : i32
        %add3A_228 = arith.constant 0 : i32
        %add3A_229 = arith.addi %add3A_175, %add3A_228 : i32
        %get3A_230 = arith.index_cast %add3A_229 : i32 to index
        %get3A_231 = arith.constant 64 : index
        %get3A_232 = tpu.vector_load %arg14[%get3A_230, %get3A_231] {strides = array<i32>} : memref<112x128xf32, #tpu.memory_space<vmem>>, vector<1x16xf32>,
        %get3A_233 = vector.shape_cast %get3A_232 : vector<1x16xf32> to vector<16xf32>
        %swap3A_234 = arith.index_cast %add3A_227 : i32 to index
        %swap3A_235 = arith.constant 64 : index
        %swap3A_236 = tpu.vector_load %arg12[%swap3A_234, %swap3A_235] {strides = array<i32>} : memref<112x128xf32, #tpu.memory_space<vmem>>, vector<1x16xf32>,
        %swap3A_237 = vector.shape_cast %swap3A_236 : vector<1x16xf32> to vector<16xf32>
        %swap3A_238 = vector.shape_cast %get3A_233 : vector<16xf32> to vector<1x16xf32>
        tpu.vector_store %arg12[%swap3A_234, %swap3A_235], %swap3A_238 {add = true, strides = array<i32>} : memref<112x128xf32, #tpu.memory_space<vmem>>, vector<1x16xf32>,
        %add3A_239 = arith.constant 0 : i32
        %add3A_240 = arith.addi %add3A_175, %add3A_239 : i32
        %add3A_241 = arith.constant 0 : i32
        %add3A_242 = arith.addi %add3A_175, %add3A_241 : i32
        %get3A_243 = arith.index_cast %add3A_242 : i32 to index
        %get3A_244 = arith.constant 80 : index
        %get3A_245 = tpu.vector_load %arg14[%get3A_243, %get3A_244] {strides = array<i32>} : memref<112x128xf32, #tpu.memory_space<vmem>>, vector<1x16xf32>,
        %get3A_246 = vector.shape_cast %get3A_245 : vector<1x16xf32> to vector<16xf32>
        %swap3A_247 = arith.index_cast %add3A_240 : i32 to index
        %swap3A_248 = arith.constant 80 : index
        %swap3A_249 = tpu.vector_load %arg12[%swap3A_247, %swap3A_248] {strides = array<i32>} : memref<112x128xf32, #tpu.memory_space<vmem>>, vector<1x16xf32>,
        %swap3A_250 = vector.shape_cast %swap3A_249 : vector<1x16xf32> to vector<16xf32>
        %swap3A_251 = vector.shape_cast %get3A_246 : vector<16xf32> to vector<1x16xf32>
        tpu.vector_store %arg12[%swap3A_247, %swap3A_248], %swap3A_251 {add = true, strides = array<i32>} : memref<112x128xf32, #tpu.memory_space<vmem>>, vector<1x16xf32>,
        %add3A_252 = arith.constant 0 : i32
        %add3A_253 = arith.addi %add3A_175, %add3A_252 : i32
        %add3A_254 = arith.constant 0 : i32
        %add3A_255 = arith.addi %add3A_175, %add3A_254 : i32
        %get3A_256 = arith.index_cast %add3A_255 : i32 to index
        %get3A_257 = arith.constant 96 : index
        %get3A_258 = tpu.vector_load %arg14[%get3A_256, %get3A_257] {strides = array<i32>} : memref<112x128xf32, #tpu.memory_space<vmem>>, vector<1x16xf32>,
        %get3A_259 = vector.shape_cast %get3A_258 : vector<1x16xf32> to vector<16xf32>
        %swap3A_260 = arith.index_cast %add3A_253 : i32 to index
        %swap3A_261 = arith.constant 96 : index
        %swap3A_262 = tpu.vector_load %arg12[%swap3A_260, %swap3A_261] {strides = array<i32>} : memref<112x128xf32, #tpu.memory_space<vmem>>, vector<1x16xf32>,
        %swap3A_263 = vector.shape_cast %swap3A_262 : vector<1x16xf32> to vector<16xf32>
        %swap3A_264 = vector.shape_cast %get3A_259 : vector<16xf32> to vector<1x16xf32>
        tpu.vector_store %arg12[%swap3A_260, %swap3A_261], %swap3A_264 {add = true, strides = array<i32>} : memref<112x128xf32, #tpu.memory_space<vmem>>, vector<1x16xf32>,
        %add3A_265 = arith.constant 0 : i32
        %add3A_266 = arith.addi %add3A_175, %add3A_265 : i32
        %add3A_267 = arith.constant 0 : i32
        %add3A_268 = arith.addi %add3A_175, %add3A_267 : i32
        %get3A_269 = arith.index_cast %add3A_268 : i32 to index
        %get3A_270 = arith.constant 112 : index
        %get3A_271 = tpu.vector_load %arg14[%get3A_269, %get3A_270] {strides = array<i32>} : memref<112x128xf32, #tpu.memory_space<vmem>>, vector<1x16xf32>,
        %get3A_272 = vector.shape_cast %get3A_271 : vector<1x16xf32> to vector<16xf32>
        %swap3A_273 = arith.index_cast %add3A_266 : i32 to index
        %swap3A_274 = arith.constant 112 : index
        %swap3A_275 = tpu.vector_load %arg12[%swap3A_273, %swap3A_274] {strides = array<i32>} : memref<112x128xf32, #tpu.memory_space<vmem>>, vector<1x16xf32>,
        %swap3A_276 = vector.shape_cast %swap3A_275 : vector<1x16xf32> to vector<16xf32>
        %swap3A_277 = vector.shape_cast %get3A_272 : vector<16xf32> to vector<1x16xf32>
        tpu.vector_store %arg12[%swap3A_273, %swap3A_274], %swap3A_277 {add = true, strides = array<i32>} : memref<112x128xf32, #tpu.memory_space<vmem>>, vector<1x16xf32>,
        %add3A_278 = arith.constant 1 : i32
        %add3A_279 = arith.addi %add3A_175, %add3A_278 : i32
        %add3A_280 = arith.constant 1 : i32
        %add3A_281 = arith.addi %add3A_175, %add3A_280 : i32
        %get3A_282 = arith.index_cast %add3A_281 : i32 to index
        %get3A_283 = arith.constant 0 : index
        %get3A_284 = tpu.vector_load %arg14[%get3A_282, %get3A_283] {strides = array<i32>} : memref<112x128xf32, #tpu.memory_space<vmem>>, vector<1x16xf32>,
        %get3A_285 = vector.shape_cast %get3A_284 : vector<1x16xf32> to vector<16xf32>
        %swap3A_286 = arith.index_cast %add3A_279 : i32 to index
        %swap3A_287 = arith.constant 0 : index
        %swap3A_288 = tpu.vector_load %arg12[%swap3A_286, %swap3A_287] {strides = array<i32>} : memref<112x128xf32, #tpu.memory_space<vmem>>, vector<1x16xf32>,
        %swap3A_289 = vector.shape_cast %swap3A_288 : vector<1x16xf32> to vector<16xf32>
        %swap3A_290 = vector.shape_cast %get3A_285 : vector<16xf32> to vector<1x16xf32>
        tpu.vector_store %arg12[%swap3A_286, %swap3A_287], %swap3A_290 {add = true, strides = array<i32>} : memref<112x128xf32, #tpu.memory_space<vmem>>, vector<1x16xf32>,
        %add3A_291 = arith.constant 1 : i32
        %add3A_292 = arith.addi %add3A_175, %add3A_291 : i32
        %add3A_293 = arith.constant 1 : i32
        %add3A_294 = arith.addi %add3A_175, %add3A_293 : i32
        %get3A_295 = arith.index_cast %add3A_294 : i32 to index
        %get3A_296 = arith.constant 16 : index
        %get3A_297 = tpu.vector_load %arg14[%get3A_295, %get3A_296] {strides = array<i32>} : memref<112x128xf32, #tpu.memory_space<vmem>>, vector<1x16xf32>,
        %get3A_298 = vector.shape_cast %get3A_297 : vector<1x16xf32> to vector<16xf32>
        %swap3A_299 = arith.index_cast %add3A_292 : i32 to index
        %swap3A_300 = arith.constant 16 : index
        %swap3A_301 = tpu.vector_load %arg12[%swap3A_299, %swap3A_300] {strides = array<i32>} : memref<112x128xf32, #tpu.memory_space<vmem>>, vector<1x16xf32>,
        %swap3A_302 = vector.shape_cast %swap3A_301 : vector<1x16xf32> to vector<16xf32>
        %swap3A_303 = vector.shape_cast %get3A_298 : vector<16xf32> to vector<1x16xf32>
        tpu.vector_store %arg12[%swap3A_299, %swap3A_300], %swap3A_303 {add = true, strides = array<i32>} : memref<112x128xf32, #tpu.memory_space<vmem>>, vector<1x16xf32>,
        %add3A_304 = arith.constant 1 : i32
        %add3A_305 = arith.addi %add3A_175, %add3A_304 : i32
        %add3A_306 = arith.constant 1 : i32
        %add3A_307 = arith.addi %add3A_175, %add3A_306 : i32
        %get3A_308 = arith.index_cast %add3A_307 : i32 to index
        %get3A_309 = arith.constant 32 : index
        %get3A_310 = tpu.vector_load %arg14[%get3A_308, %get3A_309] {strides = array<i32>} : memref<112x128xf32, #tpu.memory_space<vmem>>, vector<1x16xf32>,
        %get3A_311 = vector.shape_cast %get3A_310 : vector<1x16xf32> to vector<16xf32>
        %swap3A_312 = arith.index_cast %add3A_305 : i32 to index
        %swap3A_313 = arith.constant 32 : index
        %swap3A_314 = tpu.vector_load %arg12[%swap3A_312, %swap3A_313] {strides = array<i32>} : memref<112x128xf32, #tpu.memory_space<vmem>>, vector<1x16xf32>,
        %swap3A_315 = vector.shape_cast %swap3A_314 : vector<1x16xf32> to vector<16xf32>
        %swap3A_316 = vector.shape_cast %get3A_311 : vector<16xf32> to vector<1x16xf32>
        tpu.vector_store %arg12[%swap3A_312, %swap3A_313], %swap3A_316 {add = true, strides = array<i32>} : memref<112x128xf32, #tpu.memory_space<vmem>>, vector<1x16xf32>,
        %add3A_317 = arith.constant 1 : i32
        %add3A_318 = arith.addi %add3A_175, %add3A_317 : i32
        %add3A_319 = arith.constant 1 : i32
        %add3A_320 = arith.addi %add3A_175, %add3A_319 : i32
        %get3A_321 = arith.index_cast %add3A_320 : i32 to index
        %get3A_322 = arith.constant 48 : index
        %get3A_323 = tpu.vector_load %arg14[%get3A_321, %get3A_322] {strides = array<i32>} : memref<112x128xf32, #tpu.memory_space<vmem>>, vector<1x16xf32>,
        %get3A_324 = vector.shape_cast %get3A_323 : vector<1x16xf32> to vector<16xf32>
        %swap3A_325 = arith.index_cast %add3A_318 : i32 to index
        %swap3A_326 = arith.constant 48 : index
        %swap3A_327 = tpu.vector_load %arg12[%swap3A_325, %swap3A_326] {strides = array<i32>} : memref<112x128xf32, #tpu.memory_space<vmem>>, vector<1x16xf32>,
        %swap3A_328 = vector.shape_cast %swap3A_327 : vector<1x16xf32> to vector<16xf32>
        %swap3A_329 = vector.shape_cast %get3A_324 : vector<16xf32> to vector<1x16xf32>
        tpu.vector_store %arg12[%swap3A_325, %swap3A_326], %swap3A_329 {add = true, strides = array<i32>} : memref<112x128xf32, #tpu.memory_space<vmem>>, vector<1x16xf32>,
        %add3A_330 = arith.constant 1 : i32
        %add3A_331 = arith.addi %add3A_175, %add3A_330 : i32
        %add3A_332 = arith.constant 1 : i32
        %add3A_333 = arith.addi %add3A_175, %add3A_332 : i32
        %get3A_334 = arith.index_cast %add3A_333 : i32 to index
        %get3A_335 = arith.constant 64 : index
        %get3A_336 = tpu.vector_load %arg14[%get3A_334, %get3A_335] {strides = array<i32>} : memref<112x128xf32, #tpu.memory_space<vmem>>, vector<1x16xf32>,
        %get3A_337 = vector.shape_cast %get3A_336 : vector<1x16xf32> to vector<16xf32>
        %swap3A_338 = arith.index_cast %add3A_331 : i32 to index
        %swap3A_339 = arith.constant 64 : index
        %swap3A_340 = tpu.vector_load %arg12[%swap3A_338, %swap3A_339] {strides = array<i32>} : memref<112x128xf32, #tpu.memory_space<vmem>>, vector<1x16xf32>,
        %swap3A_341 = vector.shape_cast %swap3A_340 : vector<1x16xf32> to vector<16xf32>
        %swap3A_342 = vector.shape_cast %get3A_337 : vector<16xf32> to vector<1x16xf32>
        tpu.vector_store %arg12[%swap3A_338, %swap3A_339], %swap3A_342 {add = true, strides = array<i32>} : memref<112x128xf32, #tpu.memory_space<vmem>>, vector<1x16xf32>,
        %add3A_343 = arith.constant 1 : i32
        %add3A_344 = arith.addi %add3A_175, %add3A_343 : i32
        %add3A_345 = arith.constant 1 : i32
        %add3A_346 = arith.addi %add3A_175, %add3A_345 : i32
        %get3A_347 = arith.index_cast %add3A_346 : i32 to index
        %get3A_348 = arith.constant 80 : index
        %get3A_349 = tpu.vector_load %arg14[%get3A_347, %get3A_348] {strides = array<i32>} : memref<112x128xf32, #tpu.memory_space<vmem>>, vector<1x16xf32>,
        %get3A_350 = vector.shape_cast %get3A_349 : vector<1x16xf32> to vector<16xf32>
        %swap3A_351 = arith.index_cast %add3A_344 : i32 to index
        %swap3A_352 = arith.constant 80 : index
        %swap3A_353 = tpu.vector_load %arg12[%swap3A_351, %swap3A_352] {strides = array<i32>} : memref<112x128xf32, #tpu.memory_space<vmem>>, vector<1x16xf32>,
        %swap3A_354 = vector.shape_cast %swap3A_353 : vector<1x16xf32> to vector<16xf32>
        %swap3A_355 = vector.shape_cast %get3A_350 : vector<16xf32> to vector<1x16xf32>
        tpu.vector_store %arg12[%swap3A_351, %swap3A_352], %swap3A_355 {add = true, strides = array<i32>} : memref<112x128xf32, #tpu.memory_space<vmem>>, vector<1x16xf32>,
        %add3A_356 = arith.constant 1 : i32
        %add3A_357 = arith.addi %add3A_175, %add3A_356 : i32
        %add3A_358 = arith.constant 1 : i32
        %add3A_359 = arith.addi %add3A_175, %add3A_358 : i32
        %get3A_360 = arith.index_cast %add3A_359 : i32 to index
        %get3A_361 = arith.constant 96 : index
        %get3A_362 = tpu.vector_load %arg14[%get3A_360, %get3A_361] {strides = array<i32>} : memref<112x128xf32, #tpu.memory_space<vmem>>, vector<1x16xf32>,
        %get3A_363 = vector.shape_cast %get3A_362 : vector<1x16xf32> to vector<16xf32>
        %swap3A_364 = arith.index_cast %add3A_357 : i32 to index
        %swap3A_365 = arith.constant 96 : index
        %swap3A_366 = tpu.vector_load %arg12[%swap3A_364, %swap3A_365] {strides = array<i32>} : memref<112x128xf32, #tpu.memory_space<vmem>>, vector<1x16xf32>,
        %swap3A_367 = vector.shape_cast %swap3A_366 : vector<1x16xf32> to vector<16xf32>
        %swap3A_368 = vector.shape_cast %get3A_363 : vector<16xf32> to vector<1x16xf32>
        tpu.vector_store %arg12[%swap3A_364, %swap3A_365], %swap3A_368 {add = true, strides = array<i32>} : memref<112x128xf32, #tpu.memory_space<vmem>>, vector<1x16xf32>,
        %add3A_369 = arith.constant 1 : i32
        %add3A_370 = arith.addi %add3A_175, %add3A_369 : i32
        %add3A_371 = arith.constant 1 : i32
        %add3A_372 = arith.addi %add3A_175, %add3A_371 : i32
        %get3A_373 = arith.index_cast %add3A_372 : i32 to index
        %get3A_374 = arith.constant 112 : index
        %get3A_375 = tpu.vector_load %arg14[%get3A_373, %get3A_374] {strides = array<i32>} : memref<112x128xf32, #tpu.memory_space<vmem>>, vector<1x16xf32>,
        %get3A_376 = vector.shape_cast %get3A_375 : vector<1x16xf32> to vector<16xf32>
        %swap3A_377 = arith.index_cast %add3A_370 : i32 to index
        %swap3A_378 = arith.constant 112 : index
        %swap3A_379 = tpu.vector_load %arg12[%swap3A_377, %swap3A_378] {strides = array<i32>} : memref<112x128xf32, #tpu.memory_space<vmem>>, vector<1x16xf32>,
        %swap3A_380 = vector.shape_cast %swap3A_379 : vector<1x16xf32> to vector<16xf32>
        %swap3A_381 = vector.shape_cast %get3A_376 : vector<16xf32> to vector<1x16xf32>
        tpu.vector_store %arg12[%swap3A_377, %swap3A_378], %swap3A_381 {add = true, strides = array<i32>} : memref<112x128xf32, #tpu.memory_space<vmem>>, vector<1x16xf32>,
      }
      %scan3A_100 = arith.constant 56 : i32
      %mul3A_101 = arith.constant 112 : i32
      %mul3A_102 = arith.muli %add3A_89, %mul3A_101 : i32
      %dma_start3A_103 = arith.constant 0 : i32
      %dma_start3A_104 = tpu.memref_slice %arg5[%mul3A_102, %dma_start3A_103] : memref<100352x128xf32, #tpu.memory_space<hbm>> -> memref<112x128xf32, #tpu.memory_space<hbm>>
      %dma_start3A_105 = arith.constant 0 : i32
      %dma_start3A_106 = tpu.memref_slice %arg5[%mul3A_102, %dma_start3A_105] : memref<100352x128xf32, #tpu.memory_space<hbm>> -> memref<112x128xf32, #tpu.memory_space<hbm>>
      tpu.enqueue_dma source(%arg12 : memref<112x128xf32, #tpu.memory_space<vmem>>) target(%dma_start3A_106 : memref<112x128xf32, #tpu.memory_space<hbm>>) target_semaphore(%arg20 : memref<!tpu.dma_semaphore, #tpu.memory_space<semaphore_mem>>)
      %add3A_107 = arith.addi %mul3A_2, %add3A_86 : i32
      %add3A_108 = arith.constant 0 : i32
      %add3A_109 = arith.addi %add3A_107, %add3A_108 : i32
      %add3A_110 = arith.constant 2 : i32
      %add3A_111 = arith.addi %add3A_109, %add3A_110 : i32
      "tpu.region"() ({
        %run_scoped3A = tpu.sem_alloc : memref<!tpu.dma_semaphore, #tpu.memory_space<semaphore_mem>>
        %dma_start3A_171 = arith.constant 0 : i32
        %dma_start3A_172 = arith.constant 0 : i32
        %dma_start3A_173 = tpu.memref_slice %arg2[%add3A_111, %dma_start3A_171, %dma_start3A_172] : memref<896x3x112xi32, #tpu.memory_space<hbm>> -> memref<1x3x112xi32, #tpu.memory_space<hbm>>
        %dma_start3A_174 = tpu.memref_squeeze %dma_start3A_173 : memref<1x3x112xi32, #tpu.memory_space<hbm>> -> memref<3x112xi32, #tpu.memory_space<hbm>>
        %dma_start3A_175 = arith.constant 0 : i32
        %dma_start3A_176 = arith.constant 0 : i32
        %dma_start3A_177 = tpu.memref_slice %arg2[%add3A_111, %dma_start3A_175, %dma_start3A_176] : memref<896x3x112xi32, #tpu.memory_space<hbm>> -> memref<1x3x112xi32, #tpu.memory_space<hbm>>
        %dma_start3A_178 = tpu.memref_squeeze %dma_start3A_177 : memref<1x3x112xi32, #tpu.memory_space<hbm>> -> memref<3x112xi32, #tpu.memory_space<hbm>>
        tpu.enqueue_dma source(%dma_start3A_178 : memref<3x112xi32, #tpu.memory_space<hbm>>) target(%arg6 : memref<3x112xi32, #tpu.memory_space<vmem>>) target_semaphore(%run_scoped3A : memref<!tpu.dma_semaphore, #tpu.memory_space<semaphore_mem>>)
        %dma_wait3A_179 = arith.constant 0 : i32
        %dma_wait3A_180 = arith.constant 0 : i32
        %dma_wait3A_181 = tpu.memref_slice %arg2[%add3A_111, %dma_wait3A_179, %dma_wait3A_180] : memref<896x3x112xi32, #tpu.memory_space<hbm>> -> memref<1x3x112xi32, #tpu.memory_space<hbm>>
        %dma_wait3A_182 = tpu.memref_squeeze %dma_wait3A_181 : memref<1x3x112xi32, #tpu.memory_space<hbm>> -> memref<3x112xi32, #tpu.memory_space<hbm>>
        %dma_wait3A_183 = arith.constant 0 : i32
        %dma_wait3A_184 = arith.constant 0 : i32
        %dma_wait3A_185 = tpu.memref_slice %arg2[%add3A_111, %dma_wait3A_183, %dma_wait3A_184] : memref<896x3x112xi32, #tpu.memory_space<hbm>> -> memref<1x3x112xi32, #tpu.memory_space<hbm>>
        %dma_wait3A_186 = tpu.memref_squeeze %dma_wait3A_185 : memref<1x3x112xi32, #tpu.memory_space<hbm>> -> memref<3x112xi32, #tpu.memory_space<hbm>>
        tpu.wait_dma2 semaphore(%run_scoped3A : memref<!tpu.dma_semaphore, #tpu.memory_space<semaphore_mem>>) src(%dma_wait3A_186 : memref<3x112xi32, #tpu.memory_space<hbm>>) dst(%arg6 : memref<3x112xi32, #tpu.memory_space<vmem>>)
        tpu.yield
      }) : () -> ()
      %scan3A_112 = arith.constant 0 : i32
      %scan3A_113 = arith.constant 7 : i32
      %scan3A_114 = arith.addi %scan3A_112, %scan3A_113 : i32
      %scan3A_115 = arith.constant 1 : i32
      scf.for %scan3A_171 = %scan3A_112 to %scan3A_114 step %scan3A_115  : i32 {
        %mul3A_172 = arith.constant 16 : i32
        %mul3A_173 = arith.muli %scan3A_171, %mul3A_172 : i32
        %add3A_174 = arith.constant 0 : i32
        %add3A_175 = arith.addi %add3A_174, %mul3A_173 : i32
        %get3A = arith.constant 1 : i32
        %get3A_176 = arith.index_cast %get3A : i32 to index
        %get3A_177 = arith.index_cast %add3A_175 : i32 to index
        %get3A_178 = tpu.vector_load %arg6[%get3A_176, %get3A_177] {strides = array<i32>} : memref<3x112xi32, #tpu.memory_space<vmem>>, vector<1x16xi32>,
        %get3A_179 = vector.shape_cast %get3A_178 : vector<1x16xi32> to vector<16xi32>
        %min3A = arith.constant 20 : i32
        %min3A_180 = vector.broadcast %min3A : i32 to vector<16xi32>
        %min3A_181 = arith.minsi %get3A_179, %min3A_180 : vector<16xi32>
        %get3A_182 = arith.constant 0 : i32
        %get3A_183 = arith.index_cast %get3A_182 : i32 to index
        %get3A_184 = arith.index_cast %add3A_175 : i32 to index
        %get3A_185 = tpu.vector_load %arg6[%get3A_183, %get3A_184] {strides = array<i32>} : memref<3x112xi32, #tpu.memory_space<vmem>>, vector<1x16xi32>,
        %get3A_186 = vector.shape_cast %get3A_185 : vector<1x16xi32> to vector<16xi32>
        %mul3A_187 = arith.constant 21 : i32
        %mul3A_188 = vector.broadcast %mul3A_187 : i32 to vector<16xi32>
        %mul3A_189 = arith.muli %get3A_186, %mul3A_188 : vector<16xi32>
        %add3A_190 = arith.addi %mul3A_189, %min3A_181 : vector<16xi32>
        %swap3A = arith.index_cast %add3A_175 : i32 to index
        %swap3A_191 = tpu.vector_load %arg8[%swap3A] {strides = array<i32>} : memref<112xi32, #tpu.memory_space<vmem>>, vector<16xi32>,
        %swap3A_192 = vector.shape_cast %swap3A_191 : vector<16xi32> to vector<16xi32>
        %swap3A_193 = vector.shape_cast %add3A_190 : vector<16xi32> to vector<16xi32>
        tpu.vector_store %arg8[%swap3A], %swap3A_193 {strides = array<i32>} : memref<112xi32, #tpu.memory_space<vmem>>, vector<16xi32>,
        %get3A_194 = arith.constant 2 : i32
        %get3A_195 = arith.index_cast %get3A_194 : i32 to index
        %get3A_196 = arith.index_cast %add3A_175 : i32 to index
        %get3A_197 = tpu.vector_load %arg6[%get3A_195, %get3A_196] {strides = array<i32>} : memref<3x112xi32, #tpu.memory_space<vmem>>, vector<1x16xi32>,
        %get3A_198 = vector.shape_cast %get3A_197 : vector<1x16xi32> to vector<16xi32>
        %swap3A_199 = arith.index_cast %add3A_175 : i32 to index
        %swap3A_200 = tpu.vector_load %arg10[%swap3A_199] {strides = array<i32>} : memref<112xi32, #tpu.memory_space<vmem>>, vector<16xi32>,
        %swap3A_201 = vector.shape_cast %swap3A_200 : vector<16xi32> to vector<16xi32>
        %swap3A_202 = vector.shape_cast %get3A_198 : vector<16xi32> to vector<16xi32>
        tpu.vector_store %arg10[%swap3A_199], %swap3A_202 {strides = array<i32>} : memref<112xi32, #tpu.memory_space<vmem>>, vector<16xi32>,
      }
      %scan3A_116 = arith.constant 7 : i32
      %dma_wait3A_117 = arith.constant 0 : i32
      %dma_wait3A_118 = arith.constant 0 : i32
      %dma_wait3A_119 = tpu.memref_slice %arg5[%dma_wait3A_117, %dma_wait3A_118] : memref<100352x128xf32, #tpu.memory_space<hbm>> -> memref<112x128xf32, #tpu.memory_space<hbm>>
      %dma_wait3A_120 = arith.constant 0 : i32
      %dma_wait3A_121 = arith.constant 0 : i32
      %dma_wait3A_122 = tpu.memref_slice %arg5[%dma_wait3A_120, %dma_wait3A_121] : memref<100352x128xf32, #tpu.memory_space<hbm>> -> memref<112x128xf32, #tpu.memory_space<hbm>>
      tpu.wait_dma2 semaphore(%arg20 : memref<!tpu.dma_semaphore, #tpu.memory_space<semaphore_mem>>) src(%arg12 : memref<112x128xf32, #tpu.memory_space<vmem>>) dst(%dma_wait3A_122 : memref<112x128xf32, #tpu.memory_space<hbm>>)
      %dma_start3A_123 = arith.constant 0 : i32
      %dma_start3A_124 = arith.constant 0 : i32
      %dma_start3A_125 = tpu.memref_slice %arg3[%dma_start3A_123, %dma_start3A_124] : memref<2058x128xf32, #tpu.memory_space<hbm>> -> memref<2058x128xf32, #tpu.memory_space<hbm>>
      tpu.enqueue_indirect_dma source(%dma_start3A_125 : memref<2058x128xf32, #tpu.memory_space<hbm>>) target(%arg12 : memref<112x128xf32, #tpu.memory_space<vmem>>) offsets(%arg8 : memref<112xi32, #tpu.memory_space<vmem>>) semaphore(%arg16 : memref<!tpu.dma_semaphore, #tpu.memory_space<semaphore_mem>>)
      %dma_start3A_126 = arith.constant 0 : i32
      %dma_start3A_127 = arith.constant 0 : i32
      %dma_start3A_128 = tpu.memref_slice %arg4[%dma_start3A_126, %dma_start3A_127] : memref<10030x128xf32, #tpu.memory_space<hbm>> -> memref<10030x128xf32, #tpu.memory_space<hbm>>
      tpu.enqueue_indirect_dma source(%dma_start3A_128 : memref<10030x128xf32, #tpu.memory_space<hbm>>) target(%arg14 : memref<112x128xf32, #tpu.memory_space<vmem>>) offsets(%arg10 : memref<112xi32, #tpu.memory_space<vmem>>) semaphore(%arg18 : memref<!tpu.dma_semaphore, #tpu.memory_space<semaphore_mem>>)
      %add3A_129 = arith.addi %mul3A_2, %add3A_86 : i32
      %add3A_130 = arith.constant 1 : i32
      %add3A_131 = arith.addi %add3A_129, %add3A_130 : i32
      %dma_wait3A_132 = arith.constant 0 : i32
      %dma_wait3A_133 = arith.constant 0 : i32
      %dma_wait3A_134 = tpu.memref_slice %arg3[%dma_wait3A_132, %dma_wait3A_133] : memref<2058x128xf32, #tpu.memory_space<hbm>> -> memref<2058x128xf32, #tpu.memory_space<hbm>>
      tpu.wait_indirect_dma semaphore(%arg17 : memref<!tpu.dma_semaphore, #tpu.memory_space<semaphore_mem>>) src(%dma_wait3A_134 : memref<2058x128xf32, #tpu.memory_space<hbm>>) dst(%arg13 : memref<112x128xf32, #tpu.memory_space<vmem>>)
      %dma_wait3A_135 = arith.constant 0 : i32
      %dma_wait3A_136 = arith.constant 0 : i32
      %dma_wait3A_137 = tpu.memref_slice %arg4[%dma_wait3A_135, %dma_wait3A_136] : memref<10030x128xf32, #tpu.memory_space<hbm>> -> memref<10030x128xf32, #tpu.memory_space<hbm>>
      tpu.wait_indirect_dma semaphore(%arg19 : memref<!tpu.dma_semaphore, #tpu.memory_space<semaphore_mem>>) src(%dma_wait3A_137 : memref<10030x128xf32, #tpu.memory_space<hbm>>) dst(%arg15 : memref<112x128xf32, #tpu.memory_space<vmem>>)
      %scan3A_138 = arith.constant 0 : i32
      %scan3A_139 = arith.constant 56 : i32
      %scan3A_140 = arith.addi %scan3A_138, %scan3A_139 : i32
      %scan3A_141 = arith.constant 1 : i32
      scf.for %scan3A_171 = %scan3A_138 to %scan3A_140 step %scan3A_141  : i32 {
        %mul3A_172 = arith.constant 2 : i32
        %mul3A_173 = arith.muli %scan3A_171, %mul3A_172 : i32
        %add3A_174 = arith.constant 0 : i32
        %add3A_175 = arith.addi %add3A_174, %mul3A_173 : i32
        %add3A_176 = arith.constant 0 : i32
        %add3A_177 = arith.addi %add3A_175, %add3A_176 : i32
        %add3A_178 = arith.constant 0 : i32
        %add3A_179 = arith.addi %add3A_175, %add3A_178 : i32
        %get3A = arith.index_cast %add3A_179 : i32 to index
        %get3A_180 = arith.constant 0 : index
        %get3A_181 = tpu.vector_load %arg15[%get3A, %get3A_180] {strides = array<i32>} : memref<112x128xf32, #tpu.memory_space<vmem>>, vector<1x16xf32>,
        %get3A_182 = vector.shape_cast %get3A_181 : vector<1x16xf32> to vector<16xf32>
        %swap3A = arith.index_cast %add3A_177 : i32 to index
        %swap3A_183 = arith.constant 0 : index
        %swap3A_184 = tpu.vector_load %arg13[%swap3A, %swap3A_183] {strides = array<i32>} : memref<112x128xf32, #tpu.memory_space<vmem>>, vector<1x16xf32>,
        %swap3A_185 = vector.shape_cast %swap3A_184 : vector<1x16xf32> to vector<16xf32>
        %swap3A_186 = vector.shape_cast %get3A_182 : vector<16xf32> to vector<1x16xf32>
        tpu.vector_store %arg13[%swap3A, %swap3A_183], %swap3A_186 {add = true, strides = array<i32>} : memref<112x128xf32, #tpu.memory_space<vmem>>, vector<1x16xf32>,
        %add3A_187 = arith.constant 0 : i32
        %add3A_188 = arith.addi %add3A_175, %add3A_187 : i32
        %add3A_189 = arith.constant 0 : i32
        %add3A_190 = arith.addi %add3A_175, %add3A_189 : i32
        %get3A_191 = arith.index_cast %add3A_190 : i32 to index
        %get3A_192 = arith.constant 16 : index
        %get3A_193 = tpu.vector_load %arg15[%get3A_191, %get3A_192] {strides = array<i32>} : memref<112x128xf32, #tpu.memory_space<vmem>>, vector<1x16xf32>,
        %get3A_194 = vector.shape_cast %get3A_193 : vector<1x16xf32> to vector<16xf32>
        %swap3A_195 = arith.index_cast %add3A_188 : i32 to index
        %swap3A_196 = arith.constant 16 : index
        %swap3A_197 = tpu.vector_load %arg13[%swap3A_195, %swap3A_196] {strides = array<i32>} : memref<112x128xf32, #tpu.memory_space<vmem>>, vector<1x16xf32>,
        %swap3A_198 = vector.shape_cast %swap3A_197 : vector<1x16xf32> to vector<16xf32>
        %swap3A_199 = vector.shape_cast %get3A_194 : vector<16xf32> to vector<1x16xf32>
        tpu.vector_store %arg13[%swap3A_195, %swap3A_196], %swap3A_199 {add = true, strides = array<i32>} : memref<112x128xf32, #tpu.memory_space<vmem>>, vector<1x16xf32>,
        %add3A_200 = arith.constant 0 : i32
        %add3A_201 = arith.addi %add3A_175, %add3A_200 : i32
        %add3A_202 = arith.constant 0 : i32
        %add3A_203 = arith.addi %add3A_175, %add3A_202 : i32
        %get3A_204 = arith.index_cast %add3A_203 : i32 to index
        %get3A_205 = arith.constant 32 : index
        %get3A_206 = tpu.vector_load %arg15[%get3A_204, %get3A_205] {strides = array<i32>} : memref<112x128xf32, #tpu.memory_space<vmem>>, vector<1x16xf32>,
        %get3A_207 = vector.shape_cast %get3A_206 : vector<1x16xf32> to vector<16xf32>
        %swap3A_208 = arith.index_cast %add3A_201 : i32 to index
        %swap3A_209 = arith.constant 32 : index
        %swap3A_210 = tpu.vector_load %arg13[%swap3A_208, %swap3A_209] {strides = array<i32>} : memref<112x128xf32, #tpu.memory_space<vmem>>, vector<1x16xf32>,
        %swap3A_211 = vector.shape_cast %swap3A_210 : vector<1x16xf32> to vector<16xf32>
        %swap3A_212 = vector.shape_cast %get3A_207 : vector<16xf32> to vector<1x16xf32>
        tpu.vector_store %arg13[%swap3A_208, %swap3A_209], %swap3A_212 {add = true, strides = array<i32>} : memref<112x128xf32, #tpu.memory_space<vmem>>, vector<1x16xf32>,
        %add3A_213 = arith.constant 0 : i32
        %add3A_214 = arith.addi %add3A_175, %add3A_213 : i32
        %add3A_215 = arith.constant 0 : i32
        %add3A_216 = arith.addi %add3A_175, %add3A_215 : i32
        %get3A_217 = arith.index_cast %add3A_216 : i32 to index
        %get3A_218 = arith.constant 48 : index
        %get3A_219 = tpu.vector_load %arg15[%get3A_217, %get3A_218] {strides = array<i32>} : memref<112x128xf32, #tpu.memory_space<vmem>>, vector<1x16xf32>,
        %get3A_220 = vector.shape_cast %get3A_219 : vector<1x16xf32> to vector<16xf32>
        %swap3A_221 = arith.index_cast %add3A_214 : i32 to index
        %swap3A_222 = arith.constant 48 : index
        %swap3A_223 = tpu.vector_load %arg13[%swap3A_221, %swap3A_222] {strides = array<i32>} : memref<112x128xf32, #tpu.memory_space<vmem>>, vector<1x16xf32>,
        %swap3A_224 = vector.shape_cast %swap3A_223 : vector<1x16xf32> to vector<16xf32>
        %swap3A_225 = vector.shape_cast %get3A_220 : vector<16xf32> to vector<1x16xf32>
        tpu.vector_store %arg13[%swap3A_221, %swap3A_222], %swap3A_225 {add = true, strides = array<i32>} : memref<112x128xf32, #tpu.memory_space<vmem>>, vector<1x16xf32>,
        %add3A_226 = arith.constant 0 : i32
        %add3A_227 = arith.addi %add3A_175, %add3A_226 : i32
        %add3A_228 = arith.constant 0 : i32
        %add3A_229 = arith.addi %add3A_175, %add3A_228 : i32
        %get3A_230 = arith.index_cast %add3A_229 : i32 to index
        %get3A_231 = arith.constant 64 : index
        %get3A_232 = tpu.vector_load %arg15[%get3A_230, %get3A_231] {strides = array<i32>} : memref<112x128xf32, #tpu.memory_space<vmem>>, vector<1x16xf32>,
        %get3A_233 = vector.shape_cast %get3A_232 : vector<1x16xf32> to vector<16xf32>
        %swap3A_234 = arith.index_cast %add3A_227 : i32 to index
        %swap3A_235 = arith.constant 64 : index
        %swap3A_236 = tpu.vector_load %arg13[%swap3A_234, %swap3A_235] {strides = array<i32>} : memref<112x128xf32, #tpu.memory_space<vmem>>, vector<1x16xf32>,
        %swap3A_237 = vector.shape_cast %swap3A_236 : vector<1x16xf32> to vector<16xf32>
        %swap3A_238 = vector.shape_cast %get3A_233 : vector<16xf32> to vector<1x16xf32>
        tpu.vector_store %arg13[%swap3A_234, %swap3A_235], %swap3A_238 {add = true, strides = array<i32>} : memref<112x128xf32, #tpu.memory_space<vmem>>, vector<1x16xf32>,
        %add3A_239 = arith.constant 0 : i32
        %add3A_240 = arith.addi %add3A_175, %add3A_239 : i32
        %add3A_241 = arith.constant 0 : i32
        %add3A_242 = arith.addi %add3A_175, %add3A_241 : i32
        %get3A_243 = arith.index_cast %add3A_242 : i32 to index
        %get3A_244 = arith.constant 80 : index
        %get3A_245 = tpu.vector_load %arg15[%get3A_243, %get3A_244] {strides = array<i32>} : memref<112x128xf32, #tpu.memory_space<vmem>>, vector<1x16xf32>,
        %get3A_246 = vector.shape_cast %get3A_245 : vector<1x16xf32> to vector<16xf32>
        %swap3A_247 = arith.index_cast %add3A_240 : i32 to index
        %swap3A_248 = arith.constant 80 : index
        %swap3A_249 = tpu.vector_load %arg13[%swap3A_247, %swap3A_248] {strides = array<i32>} : memref<112x128xf32, #tpu.memory_space<vmem>>, vector<1x16xf32>,
        %swap3A_250 = vector.shape_cast %swap3A_249 : vector<1x16xf32> to vector<16xf32>
        %swap3A_251 = vector.shape_cast %get3A_246 : vector<16xf32> to vector<1x16xf32>
        tpu.vector_store %arg13[%swap3A_247, %swap3A_248], %swap3A_251 {add = true, strides = array<i32>} : memref<112x128xf32, #tpu.memory_space<vmem>>, vector<1x16xf32>,
        %add3A_252 = arith.constant 0 : i32
        %add3A_253 = arith.addi %add3A_175, %add3A_252 : i32
        %add3A_254 = arith.constant 0 : i32
        %add3A_255 = arith.addi %add3A_175, %add3A_254 : i32
        %get3A_256 = arith.index_cast %add3A_255 : i32 to index
        %get3A_257 = arith.constant 96 : index
        %get3A_258 = tpu.vector_load %arg15[%get3A_256, %get3A_257] {strides = array<i32>} : memref<112x128xf32, #tpu.memory_space<vmem>>, vector<1x16xf32>,
        %get3A_259 = vector.shape_cast %get3A_258 : vector<1x16xf32> to vector<16xf32>
        %swap3A_260 = arith.index_cast %add3A_253 : i32 to index
        %swap3A_261 = arith.constant 96 : index
        %swap3A_262 = tpu.vector_load %arg13[%swap3A_260, %swap3A_261] {strides = array<i32>} : memref<112x128xf32, #tpu.memory_space<vmem>>, vector<1x16xf32>,
        %swap3A_263 = vector.shape_cast %swap3A_262 : vector<1x16xf32> to vector<16xf32>
        %swap3A_264 = vector.shape_cast %get3A_259 : vector<16xf32> to vector<1x16xf32>
        tpu.vector_store %arg13[%swap3A_260, %swap3A_261], %swap3A_264 {add = true, strides = array<i32>} : memref<112x128xf32, #tpu.memory_space<vmem>>, vector<1x16xf32>,
        %add3A_265 = arith.constant 0 : i32
        %add3A_266 = arith.addi %add3A_175, %add3A_265 : i32
        %add3A_267 = arith.constant 0 : i32
        %add3A_268 = arith.addi %add3A_175, %add3A_267 : i32
        %get3A_269 = arith.index_cast %add3A_268 : i32 to index
        %get3A_270 = arith.constant 112 : index
        %get3A_271 = tpu.vector_load %arg15[%get3A_269, %get3A_270] {strides = array<i32>} : memref<112x128xf32, #tpu.memory_space<vmem>>, vector<1x16xf32>,
        %get3A_272 = vector.shape_cast %get3A_271 : vector<1x16xf32> to vector<16xf32>
        %swap3A_273 = arith.index_cast %add3A_266 : i32 to index
        %swap3A_274 = arith.constant 112 : index
        %swap3A_275 = tpu.vector_load %arg13[%swap3A_273, %swap3A_274] {strides = array<i32>} : memref<112x128xf32, #tpu.memory_space<vmem>>, vector<1x16xf32>,
        %swap3A_276 = vector.shape_cast %swap3A_275 : vector<1x16xf32> to vector<16xf32>
        %swap3A_277 = vector.shape_cast %get3A_272 : vector<16xf32> to vector<1x16xf32>
        tpu.vector_store %arg13[%swap3A_273, %swap3A_274], %swap3A_277 {add = true, strides = array<i32>} : memref<112x128xf32, #tpu.memory_space<vmem>>, vector<1x16xf32>,
        %add3A_278 = arith.constant 1 : i32
        %add3A_279 = arith.addi %add3A_175, %add3A_278 : i32
        %add3A_280 = arith.constant 1 : i32
        %add3A_281 = arith.addi %add3A_175, %add3A_280 : i32
        %get3A_282 = arith.index_cast %add3A_281 : i32 to index
        %get3A_283 = arith.constant 0 : index
        %get3A_284 = tpu.vector_load %arg15[%get3A_282, %get3A_283] {strides = array<i32>} : memref<112x128xf32, #tpu.memory_space<vmem>>, vector<1x16xf32>,
        %get3A_285 = vector.shape_cast %get3A_284 : vector<1x16xf32> to vector<16xf32>
        %swap3A_286 = arith.index_cast %add3A_279 : i32 to index
        %swap3A_287 = arith.constant 0 : index
        %swap3A_288 = tpu.vector_load %arg13[%swap3A_286, %swap3A_287] {strides = array<i32>} : memref<112x128xf32, #tpu.memory_space<vmem>>, vector<1x16xf32>,
        %swap3A_289 = vector.shape_cast %swap3A_288 : vector<1x16xf32> to vector<16xf32>
        %swap3A_290 = vector.shape_cast %get3A_285 : vector<16xf32> to vector<1x16xf32>
        tpu.vector_store %arg13[%swap3A_286, %swap3A_287], %swap3A_290 {add = true, strides = array<i32>} : memref<112x128xf32, #tpu.memory_space<vmem>>, vector<1x16xf32>,
        %add3A_291 = arith.constant 1 : i32
        %add3A_292 = arith.addi %add3A_175, %add3A_291 : i32
        %add3A_293 = arith.constant 1 : i32
        %add3A_294 = arith.addi %add3A_175, %add3A_293 : i32
        %get3A_295 = arith.index_cast %add3A_294 : i32 to index
        %get3A_296 = arith.constant 16 : index
        %get3A_297 = tpu.vector_load %arg15[%get3A_295, %get3A_296] {strides = array<i32>} : memref<112x128xf32, #tpu.memory_space<vmem>>, vector<1x16xf32>,
        %get3A_298 = vector.shape_cast %get3A_297 : vector<1x16xf32> to vector<16xf32>
        %swap3A_299 = arith.index_cast %add3A_292 : i32 to index
        %swap3A_300 = arith.constant 16 : index
        %swap3A_301 = tpu.vector_load %arg13[%swap3A_299, %swap3A_300] {strides = array<i32>} : memref<112x128xf32, #tpu.memory_space<vmem>>, vector<1x16xf32>,
        %swap3A_302 = vector.shape_cast %swap3A_301 : vector<1x16xf32> to vector<16xf32>
        %swap3A_303 = vector.shape_cast %get3A_298 : vector<16xf32> to vector<1x16xf32>
        tpu.vector_store %arg13[%swap3A_299, %swap3A_300], %swap3A_303 {add = true, strides = array<i32>} : memref<112x128xf32, #tpu.memory_space<vmem>>, vector<1x16xf32>,
        %add3A_304 = arith.constant 1 : i32
        %add3A_305 = arith.addi %add3A_175, %add3A_304 : i32
        %add3A_306 = arith.constant 1 : i32
        %add3A_307 = arith.addi %add3A_175, %add3A_306 : i32
        %get3A_308 = arith.index_cast %add3A_307 : i32 to index
        %get3A_309 = arith.constant 32 : index
        %get3A_310 = tpu.vector_load %arg15[%get3A_308, %get3A_309] {strides = array<i32>} : memref<112x128xf32, #tpu.memory_space<vmem>>, vector<1x16xf32>,
        %get3A_311 = vector.shape_cast %get3A_310 : vector<1x16xf32> to vector<16xf32>
        %swap3A_312 = arith.index_cast %add3A_305 : i32 to index
        %swap3A_313 = arith.constant 32 : index
        %swap3A_314 = tpu.vector_load %arg13[%swap3A_312, %swap3A_313] {strides = array<i32>} : memref<112x128xf32, #tpu.memory_space<vmem>>, vector<1x16xf32>,
        %swap3A_315 = vector.shape_cast %swap3A_314 : vector<1x16xf32> to vector<16xf32>
        %swap3A_316 = vector.shape_cast %get3A_311 : vector<16xf32> to vector<1x16xf32>
        tpu.vector_store %arg13[%swap3A_312, %swap3A_313], %swap3A_316 {add = true, strides = array<i32>} : memref<112x128xf32, #tpu.memory_space<vmem>>, vector<1x16xf32>,
        %add3A_317 = arith.constant 1 : i32
        %add3A_318 = arith.addi %add3A_175, %add3A_317 : i32
        %add3A_319 = arith.constant 1 : i32
        %add3A_320 = arith.addi %add3A_175, %add3A_319 : i32
        %get3A_321 = arith.index_cast %add3A_320 : i32 to index
        %get3A_322 = arith.constant 48 : index
        %get3A_323 = tpu.vector_load %arg15[%get3A_321, %get3A_322] {strides = array<i32>} : memref<112x128xf32, #tpu.memory_space<vmem>>, vector<1x16xf32>,
        %get3A_324 = vector.shape_cast %get3A_323 : vector<1x16xf32> to vector<16xf32>
        %swap3A_325 = arith.index_cast %add3A_318 : i32 to index
        %swap3A_326 = arith.constant 48 : index
        %swap3A_327 = tpu.vector_load %arg13[%swap3A_325, %swap3A_326] {strides = array<i32>} : memref<112x128xf32, #tpu.memory_space<vmem>>, vector<1x16xf32>,
        %swap3A_328 = vector.shape_cast %swap3A_327 : vector<1x16xf32> to vector<16xf32>
        %swap3A_329 = vector.shape_cast %get3A_324 : vector<16xf32> to vector<1x16xf32>
        tpu.vector_store %arg13[%swap3A_325, %swap3A_326], %swap3A_329 {add = true, strides = array<i32>} : memref<112x128xf32, #tpu.memory_space<vmem>>, vector<1x16xf32>,
        %add3A_330 = arith.constant 1 : i32
        %add3A_331 = arith.addi %add3A_175, %add3A_330 : i32
        %add3A_332 = arith.constant 1 : i32
        %add3A_333 = arith.addi %add3A_175, %add3A_332 : i32
        %get3A_334 = arith.index_cast %add3A_333 : i32 to index
        %get3A_335 = arith.constant 64 : index
        %get3A_336 = tpu.vector_load %arg15[%get3A_334, %get3A_335] {strides = array<i32>} : memref<112x128xf32, #tpu.memory_space<vmem>>, vector<1x16xf32>,
        %get3A_337 = vector.shape_cast %get3A_336 : vector<1x16xf32> to vector<16xf32>
        %swap3A_338 = arith.index_cast %add3A_331 : i32 to index
        %swap3A_339 = arith.constant 64 : index
        %swap3A_340 = tpu.vector_load %arg13[%swap3A_338, %swap3A_339] {strides = array<i32>} : memref<112x128xf32, #tpu.memory_space<vmem>>, vector<1x16xf32>,
        %swap3A_341 = vector.shape_cast %swap3A_340 : vector<1x16xf32> to vector<16xf32>
        %swap3A_342 = vector.shape_cast %get3A_337 : vector<16xf32> to vector<1x16xf32>
        tpu.vector_store %arg13[%swap3A_338, %swap3A_339], %swap3A_342 {add = true, strides = array<i32>} : memref<112x128xf32, #tpu.memory_space<vmem>>, vector<1x16xf32>,
        %add3A_343 = arith.constant 1 : i32
        %add3A_344 = arith.addi %add3A_175, %add3A_343 : i32
        %add3A_345 = arith.constant 1 : i32
        %add3A_346 = arith.addi %add3A_175, %add3A_345 : i32
        %get3A_347 = arith.index_cast %add3A_346 : i32 to index
        %get3A_348 = arith.constant 80 : index
        %get3A_349 = tpu.vector_load %arg15[%get3A_347, %get3A_348] {strides = array<i32>} : memref<112x128xf32, #tpu.memory_space<vmem>>, vector<1x16xf32>,
        %get3A_350 = vector.shape_cast %get3A_349 : vector<1x16xf32> to vector<16xf32>
        %swap3A_351 = arith.index_cast %add3A_344 : i32 to index
        %swap3A_352 = arith.constant 80 : index
        %swap3A_353 = tpu.vector_load %arg13[%swap3A_351, %swap3A_352] {strides = array<i32>} : memref<112x128xf32, #tpu.memory_space<vmem>>, vector<1x16xf32>,
        %swap3A_354 = vector.shape_cast %swap3A_353 : vector<1x16xf32> to vector<16xf32>
        %swap3A_355 = vector.shape_cast %get3A_350 : vector<16xf32> to vector<1x16xf32>
        tpu.vector_store %arg13[%swap3A_351, %swap3A_352], %swap3A_355 {add = true, strides = array<i32>} : memref<112x128xf32, #tpu.memory_space<vmem>>, vector<1x16xf32>,
        %add3A_356 = arith.constant 1 : i32
        %add3A_357 = arith.addi %add3A_175, %add3A_356 : i32
        %add3A_358 = arith.constant 1 : i32
        %add3A_359 = arith.addi %add3A_175, %add3A_358 : i32
        %get3A_360 = arith.index_cast %add3A_359 : i32 to index
        %get3A_361 = arith.constant 96 : index
        %get3A_362 = tpu.vector_load %arg15[%get3A_360, %get3A_361] {strides = array<i32>} : memref<112x128xf32, #tpu.memory_space<vmem>>, vector<1x16xf32>,
        %get3A_363 = vector.shape_cast %get3A_362 : vector<1x16xf32> to vector<16xf32>
        %swap3A_364 = arith.index_cast %add3A_357 : i32 to index
        %swap3A_365 = arith.constant 96 : index
        %swap3A_366 = tpu.vector_load %arg13[%swap3A_364, %swap3A_365] {strides = array<i32>} : memref<112x128xf32, #tpu.memory_space<vmem>>, vector<1x16xf32>,
        %swap3A_367 = vector.shape_cast %swap3A_366 : vector<1x16xf32> to vector<16xf32>
        %swap3A_368 = vector.shape_cast %get3A_363 : vector<16xf32> to vector<1x16xf32>
        tpu.vector_store %arg13[%swap3A_364, %swap3A_365], %swap3A_368 {add = true, strides = array<i32>} : memref<112x128xf32, #tpu.memory_space<vmem>>, vector<1x16xf32>,
        %add3A_369 = arith.constant 1 : i32
        %add3A_370 = arith.addi %add3A_175, %add3A_369 : i32
        %add3A_371 = arith.constant 1 : i32
        %add3A_372 = arith.addi %add3A_175, %add3A_371 : i32
        %get3A_373 = arith.index_cast %add3A_372 : i32 to index
        %get3A_374 = arith.constant 112 : index
        %get3A_375 = tpu.vector_load %arg15[%get3A_373, %get3A_374] {strides = array<i32>} : memref<112x128xf32, #tpu.memory_space<vmem>>, vector<1x16xf32>,
        %get3A_376 = vector.shape_cast %get3A_375 : vector<1x16xf32> to vector<16xf32>
        %swap3A_377 = arith.index_cast %add3A_370 : i32 to index
        %swap3A_378 = arith.constant 112 : index
        %swap3A_379 = tpu.vector_load %arg13[%swap3A_377, %swap3A_378] {strides = array<i32>} : memref<112x128xf32, #tpu.memory_space<vmem>>, vector<1x16xf32>,
        %swap3A_380 = vector.shape_cast %swap3A_379 : vector<1x16xf32> to vector<16xf32>
        %swap3A_381 = vector.shape_cast %get3A_376 : vector<16xf32> to vector<1x16xf32>
        tpu.vector_store %arg13[%swap3A_377, %swap3A_378], %swap3A_381 {add = true, strides = array<i32>} : memref<112x128xf32, #tpu.memory_space<vmem>>, vector<1x16xf32>,
      }
      %scan3A_142 = arith.constant 56 : i32
      %mul3A_143 = arith.constant 112 : i32
      %mul3A_144 = arith.muli %add3A_131, %mul3A_143 : i32
      %dma_start3A_145 = arith.constant 0 : i32
      %dma_start3A_146 = tpu.memref_slice %arg5[%mul3A_144, %dma_start3A_145] : memref<100352x128xf32, #tpu.memory_space<hbm>> -> memref<112x128xf32, #tpu.memory_space<hbm>>
      %dma_start3A_147 = arith.constant 0 : i32
      %dma_start3A_148 = tpu.memref_slice %arg5[%mul3A_144, %dma_start3A_147] : memref<100352x128xf32, #tpu.memory_space<hbm>> -> memref<112x128xf32, #tpu.memory_space<hbm>>
      tpu.enqueue_dma source(%arg13 : memref<112x128xf32, #tpu.memory_space<vmem>>) target(%dma_start3A_148 : memref<112x128xf32, #tpu.memory_space<hbm>>) target_semaphore(%arg21 : memref<!tpu.dma_semaphore, #tpu.memory_space<semaphore_mem>>)
      %add3A_149 = arith.addi %mul3A_2, %add3A_86 : i32
      %add3A_150 = arith.constant 1 : i32
      %add3A_151 = arith.addi %add3A_149, %add3A_150 : i32
      %add3A_152 = arith.constant 2 : i32
      %add3A_153 = arith.addi %add3A_151, %add3A_152 : i32
      "tpu.region"() ({
        %run_scoped3A = tpu.sem_alloc : memref<!tpu.dma_semaphore, #tpu.memory_space<semaphore_mem>>
        %dma_start3A_171 = arith.constant 0 : i32
        %dma_start3A_172 = arith.constant 0 : i32
        %dma_start3A_173 = tpu.memref_slice %arg2[%add3A_153, %dma_start3A_171, %dma_start3A_172] : memref<896x3x112xi32, #tpu.memory_space<hbm>> -> memref<1x3x112xi32, #tpu.memory_space<hbm>>
        %dma_start3A_174 = tpu.memref_squeeze %dma_start3A_173 : memref<1x3x112xi32, #tpu.memory_space<hbm>> -> memref<3x112xi32, #tpu.memory_space<hbm>>
        %dma_start3A_175 = arith.constant 0 : i32
        %dma_start3A_176 = arith.constant 0 : i32
        %dma_start3A_177 = tpu.memref_slice %arg2[%add3A_153, %dma_start3A_175, %dma_start3A_176] : memref<896x3x112xi32, #tpu.memory_space<hbm>> -> memref<1x3x112xi32, #tpu.memory_space<hbm>>
        %dma_start3A_178 = tpu.memref_squeeze %dma_start3A_177 : memref<1x3x112xi32, #tpu.memory_space<hbm>> -> memref<3x112xi32, #tpu.memory_space<hbm>>
        tpu.enqueue_dma source(%dma_start3A_178 : memref<3x112xi32, #tpu.memory_space<hbm>>) target(%arg7 : memref<3x112xi32, #tpu.memory_space<vmem>>) target_semaphore(%run_scoped3A : memref<!tpu.dma_semaphore, #tpu.memory_space<semaphore_mem>>)
        %dma_wait3A_179 = arith.constant 0 : i32
        %dma_wait3A_180 = arith.constant 0 : i32
        %dma_wait3A_181 = tpu.memref_slice %arg2[%add3A_153, %dma_wait3A_179, %dma_wait3A_180] : memref<896x3x112xi32, #tpu.memory_space<hbm>> -> memref<1x3x112xi32, #tpu.memory_space<hbm>>
        %dma_wait3A_182 = tpu.memref_squeeze %dma_wait3A_181 : memref<1x3x112xi32, #tpu.memory_space<hbm>> -> memref<3x112xi32, #tpu.memory_space<hbm>>
        %dma_wait3A_183 = arith.constant 0 : i32
        %dma_wait3A_184 = arith.constant 0 : i32
        %dma_wait3A_185 = tpu.memref_slice %arg2[%add3A_153, %dma_wait3A_183, %dma_wait3A_184] : memref<896x3x112xi32, #tpu.memory_space<hbm>> -> memref<1x3x112xi32, #tpu.memory_space<hbm>>
        %dma_wait3A_186 = tpu.memref_squeeze %dma_wait3A_185 : memref<1x3x112xi32, #tpu.memory_space<hbm>> -> memref<3x112xi32, #tpu.memory_space<hbm>>
        tpu.wait_dma2 semaphore(%run_scoped3A : memref<!tpu.dma_semaphore, #tpu.memory_space<semaphore_mem>>) src(%dma_wait3A_186 : memref<3x112xi32, #tpu.memory_space<hbm>>) dst(%arg7 : memref<3x112xi32, #tpu.memory_space<vmem>>)
        tpu.yield
      }) : () -> ()
      %scan3A_154 = arith.constant 0 : i32
      %scan3A_155 = arith.constant 7 : i32
      %scan3A_156 = arith.addi %scan3A_154, %scan3A_155 : i32
      %scan3A_157 = arith.constant 1 : i32
      scf.for %scan3A_171 = %scan3A_154 to %scan3A_156 step %scan3A_157  : i32 {
        %mul3A_172 = arith.constant 16 : i32
        %mul3A_173 = arith.muli %scan3A_171, %mul3A_172 : i32
        %add3A_174 = arith.constant 0 : i32
        %add3A_175 = arith.addi %add3A_174, %mul3A_173 : i32
        %get3A = arith.constant 1 : i32
        %get3A_176 = arith.index_cast %get3A : i32 to index
        %get3A_177 = arith.index_cast %add3A_175 : i32 to index
        %get3A_178 = tpu.vector_load %arg7[%get3A_176, %get3A_177] {strides = array<i32>} : memref<3x112xi32, #tpu.memory_space<vmem>>, vector<1x16xi32>,
        %get3A_179 = vector.shape_cast %get3A_178 : vector<1x16xi32> to vector<16xi32>
        %min3A = arith.constant 20 : i32
        %min3A_180 = vector.broadcast %min3A : i32 to vector<16xi32>
        %min3A_181 = arith.minsi %get3A_179, %min3A_180 : vector<16xi32>
        %get3A_182 = arith.constant 0 : i32
        %get3A_183 = arith.index_cast %get3A_182 : i32 to index
        %get3A_184 = arith.index_cast %add3A_175 : i32 to index
        %get3A_185 = tpu.vector_load %arg7[%get3A_183, %get3A_184] {strides = array<i32>} : memref<3x112xi32, #tpu.memory_space<vmem>>, vector<1x16xi32>,
        %get3A_186 = vector.shape_cast %get3A_185 : vector<1x16xi32> to vector<16xi32>
        %mul3A_187 = arith.constant 21 : i32
        %mul3A_188 = vector.broadcast %mul3A_187 : i32 to vector<16xi32>
        %mul3A_189 = arith.muli %get3A_186, %mul3A_188 : vector<16xi32>
        %add3A_190 = arith.addi %mul3A_189, %min3A_181 : vector<16xi32>
        %swap3A = arith.index_cast %add3A_175 : i32 to index
        %swap3A_191 = tpu.vector_load %arg9[%swap3A] {strides = array<i32>} : memref<112xi32, #tpu.memory_space<vmem>>, vector<16xi32>,
        %swap3A_192 = vector.shape_cast %swap3A_191 : vector<16xi32> to vector<16xi32>
        %swap3A_193 = vector.shape_cast %add3A_190 : vector<16xi32> to vector<16xi32>
        tpu.vector_store %arg9[%swap3A], %swap3A_193 {strides = array<i32>} : memref<112xi32, #tpu.memory_space<vmem>>, vector<16xi32>,
        %get3A_194 = arith.constant 2 : i32
        %get3A_195 = arith.index_cast %get3A_194 : i32 to index
        %get3A_196 = arith.index_cast %add3A_175 : i32 to index
        %get3A_197 = tpu.vector_load %arg7[%get3A_195, %get3A_196] {strides = array<i32>} : memref<3x112xi32, #tpu.memory_space<vmem>>, vector<1x16xi32>,
        %get3A_198 = vector.shape_cast %get3A_197 : vector<1x16xi32> to vector<16xi32>
        %swap3A_199 = arith.index_cast %add3A_175 : i32 to index
        %swap3A_200 = tpu.vector_load %arg11[%swap3A_199] {strides = array<i32>} : memref<112xi32, #tpu.memory_space<vmem>>, vector<16xi32>,
        %swap3A_201 = vector.shape_cast %swap3A_200 : vector<16xi32> to vector<16xi32>
        %swap3A_202 = vector.shape_cast %get3A_198 : vector<16xi32> to vector<16xi32>
        tpu.vector_store %arg11[%swap3A_199], %swap3A_202 {strides = array<i32>} : memref<112xi32, #tpu.memory_space<vmem>>, vector<16xi32>,
      }
      %scan3A_158 = arith.constant 7 : i32
      %dma_wait3A_159 = arith.constant 0 : i32
      %dma_wait3A_160 = arith.constant 0 : i32
      %dma_wait3A_161 = tpu.memref_slice %arg5[%dma_wait3A_159, %dma_wait3A_160] : memref<100352x128xf32, #tpu.memory_space<hbm>> -> memref<112x128xf32, #tpu.memory_space<hbm>>
      %dma_wait3A_162 = arith.constant 0 : i32
      %dma_wait3A_163 = arith.constant 0 : i32
      %dma_wait3A_164 = tpu.memref_slice %arg5[%dma_wait3A_162, %dma_wait3A_163] : memref<100352x128xf32, #tpu.memory_space<hbm>> -> memref<112x128xf32, #tpu.memory_space<hbm>>
      tpu.wait_dma2 semaphore(%arg21 : memref<!tpu.dma_semaphore, #tpu.memory_space<semaphore_mem>>) src(%arg13 : memref<112x128xf32, #tpu.memory_space<vmem>>) dst(%dma_wait3A_164 : memref<112x128xf32, #tpu.memory_space<hbm>>)
      %dma_start3A_165 = arith.constant 0 : i32
      %dma_start3A_166 = arith.constant 0 : i32
      %dma_start3A_167 = tpu.memref_slice %arg3[%dma_start3A_165, %dma_start3A_166] : memref<2058x128xf32, #tpu.memory_space<hbm>> -> memref<2058x128xf32, #tpu.memory_space<hbm>>
      tpu.enqueue_indirect_dma source(%dma_start3A_167 : memref<2058x128xf32, #tpu.memory_space<hbm>>) target(%arg13 : memref<112x128xf32, #tpu.memory_space<vmem>>) offsets(%arg9 : memref<112xi32, #tpu.memory_space<vmem>>) semaphore(%arg17 : memref<!tpu.dma_semaphore, #tpu.memory_space<semaphore_mem>>)
      %dma_start3A_168 = arith.constant 0 : i32
      %dma_start3A_169 = arith.constant 0 : i32
      %dma_start3A_170 = tpu.memref_slice %arg4[%dma_start3A_168, %dma_start3A_169] : memref<10030x128xf32, #tpu.memory_space<hbm>> -> memref<10030x128xf32, #tpu.memory_space<hbm>>
      tpu.enqueue_indirect_dma source(%dma_start3A_170 : memref<10030x128xf32, #tpu.memory_space<hbm>>) target(%arg15 : memref<112x128xf32, #tpu.memory_space<vmem>>) offsets(%arg11 : memref<112xi32, #tpu.memory_space<vmem>>) semaphore(%arg19 : memref<!tpu.dma_semaphore, #tpu.memory_space<semaphore_mem>>)
    }
    %scan3A_29 = arith.constant 13 : i32
    %add3A_30 = arith.constant 28 : i32
    %add3A_31 = arith.addi %mul3A_2, %add3A_30 : i32
    %sub3A = arith.constant 2 : i32
    %sub3A_32 = arith.subi %add3A_31, %sub3A : i32
    %dma_wait3A = arith.constant 0 : i32
    %dma_wait3A_33 = arith.constant 0 : i32
    %dma_wait3A_34 = tpu.memref_slice %arg3[%dma_wait3A, %dma_wait3A_33] : memref<2058x128xf32, #tpu.memory_space<hbm>> -> memref<2058x128xf32, #tpu.memory_space<hbm>>
    tpu.wait_indirect_dma semaphore(%arg16 : memref<!tpu.dma_semaphore, #tpu.memory_space<semaphore_mem>>) src(%dma_wait3A_34 : memref<2058x128xf32, #tpu.memory_space<hbm>>) dst(%arg12 : memref<112x128xf32, #tpu.memory_space<vmem>>)
    %dma_wait3A_35 = arith.constant 0 : i32
    %dma_wait3A_36 = arith.constant 0 : i32
    %dma_wait3A_37 = tpu.memref_slice %arg4[%dma_wait3A_35, %dma_wait3A_36] : memref<10030x128xf32, #tpu.memory_space<hbm>> -> memref<10030x128xf32, #tpu.memory_space<hbm>>
    tpu.wait_indirect_dma semaphore(%arg18 : memref<!tpu.dma_semaphore, #tpu.memory_space<semaphore_mem>>) src(%dma_wait3A_37 : memref<10030x128xf32, #tpu.memory_space<hbm>>) dst(%arg14 : memref<112x128xf32, #tpu.memory_space<vmem>>)
    %scan3A_38 = arith.constant 0 : i32
    %scan3A_39 = arith.constant 56 : i32
    %scan3A_40 = arith.addi %scan3A_38, %scan3A_39 : i32
    %scan3A_41 = arith.constant 1 : i32
    scf.for %scan3A_82 = %scan3A_38 to %scan3A_40 step %scan3A_41  : i32 {
      %mul3A_83 = arith.constant 2 : i32
      %mul3A_84 = arith.muli %scan3A_82, %mul3A_83 : i32
      %add3A_85 = arith.constant 0 : i32
      %add3A_86 = arith.addi %add3A_85, %mul3A_84 : i32
      %add3A_87 = arith.constant 0 : i32
      %add3A_88 = arith.addi %add3A_86, %add3A_87 : i32
      %add3A_89 = arith.constant 0 : i32
      %add3A_90 = arith.addi %add3A_86, %add3A_89 : i32
      %get3A = arith.index_cast %add3A_90 : i32 to index
      %get3A_91 = arith.constant 0 : index
      %get3A_92 = tpu.vector_load %arg14[%get3A, %get3A_91] {strides = array<i32>} : memref<112x128xf32, #tpu.memory_space<vmem>>, vector<1x16xf32>,
      %get3A_93 = vector.shape_cast %get3A_92 : vector<1x16xf32> to vector<16xf32>
      %swap3A = arith.index_cast %add3A_88 : i32 to index
      %swap3A_94 = arith.constant 0 : index
      %swap3A_95 = tpu.vector_load %arg12[%swap3A, %swap3A_94] {strides = array<i32>} : memref<112x128xf32, #tpu.memory_space<vmem>>, vector<1x16xf32>,
      %swap3A_96 = vector.shape_cast %swap3A_95 : vector<1x16xf32> to vector<16xf32>
      %swap3A_97 = vector.shape_cast %get3A_93 : vector<16xf32> to vector<1x16xf32>
      tpu.vector_store %arg12[%swap3A, %swap3A_94], %swap3A_97 {add = true, strides = array<i32>} : memref<112x128xf32, #tpu.memory_space<vmem>>, vector<1x16xf32>,
      %add3A_98 = arith.constant 0 : i32
      %add3A_99 = arith.addi %add3A_86, %add3A_98 : i32
      %add3A_100 = arith.constant 0 : i32
      %add3A_101 = arith.addi %add3A_86, %add3A_100 : i32
      %get3A_102 = arith.index_cast %add3A_101 : i32 to index
      %get3A_103 = arith.constant 16 : index
      %get3A_104 = tpu.vector_load %arg14[%get3A_102, %get3A_103] {strides = array<i32>} : memref<112x128xf32, #tpu.memory_space<vmem>>, vector<1x16xf32>,
      %get3A_105 = vector.shape_cast %get3A_104 : vector<1x16xf32> to vector<16xf32>
      %swap3A_106 = arith.index_cast %add3A_99 : i32 to index
      %swap3A_107 = arith.constant 16 : index
      %swap3A_108 = tpu.vector_load %arg12[%swap3A_106, %swap3A_107] {strides = array<i32>} : memref<112x128xf32, #tpu.memory_space<vmem>>, vector<1x16xf32>,
      %swap3A_109 = vector.shape_cast %swap3A_108 : vector<1x16xf32> to vector<16xf32>
      %swap3A_110 = vector.shape_cast %get3A_105 : vector<16xf32> to vector<1x16xf32>
      tpu.vector_store %arg12[%swap3A_106, %swap3A_107], %swap3A_110 {add = true, strides = array<i32>} : memref<112x128xf32, #tpu.memory_space<vmem>>, vector<1x16xf32>,
      %add3A_111 = arith.constant 0 : i32
      %add3A_112 = arith.addi %add3A_86, %add3A_111 : i32
      %add3A_113 = arith.constant 0 : i32
      %add3A_114 = arith.addi %add3A_86, %add3A_113 : i32
      %get3A_115 = arith.index_cast %add3A_114 : i32 to index
      %get3A_116 = arith.constant 32 : index
      %get3A_117 = tpu.vector_load %arg14[%get3A_115, %get3A_116] {strides = array<i32>} : memref<112x128xf32, #tpu.memory_space<vmem>>, vector<1x16xf32>,
      %get3A_118 = vector.shape_cast %get3A_117 : vector<1x16xf32> to vector<16xf32>
      %swap3A_119 = arith.index_cast %add3A_112 : i32 to index
      %swap3A_120 = arith.constant 32 : index
      %swap3A_121 = tpu.vector_load %arg12[%swap3A_119, %swap3A_120] {strides = array<i32>} : memref<112x128xf32, #tpu.memory_space<vmem>>, vector<1x16xf32>,
      %swap3A_122 = vector.shape_cast %swap3A_121 : vector<1x16xf32> to vector<16xf32>
      %swap3A_123 = vector.shape_cast %get3A_118 : vector<16xf32> to vector<1x16xf32>
      tpu.vector_store %arg12[%swap3A_119, %swap3A_120], %swap3A_123 {add = true, strides = array<i32>} : memref<112x128xf32, #tpu.memory_space<vmem>>, vector<1x16xf32>,
      %add3A_124 = arith.constant 0 : i32
      %add3A_125 = arith.addi %add3A_86, %add3A_124 : i32
      %add3A_126 = arith.constant 0 : i32
      %add3A_127 = arith.addi %add3A_86, %add3A_126 : i32
      %get3A_128 = arith.index_cast %add3A_127 : i32 to index
      %get3A_129 = arith.constant 48 : index
      %get3A_130 = tpu.vector_load %arg14[%get3A_128, %get3A_129] {strides = array<i32>} : memref<112x128xf32, #tpu.memory_space<vmem>>, vector<1x16xf32>,
      %get3A_131 = vector.shape_cast %get3A_130 : vector<1x16xf32> to vector<16xf32>
      %swap3A_132 = arith.index_cast %add3A_125 : i32 to index
      %swap3A_133 = arith.constant 48 : index
      %swap3A_134 = tpu.vector_load %arg12[%swap3A_132, %swap3A_133] {strides = array<i32>} : memref<112x128xf32, #tpu.memory_space<vmem>>, vector<1x16xf32>,
      %swap3A_135 = vector.shape_cast %swap3A_134 : vector<1x16xf32> to vector<16xf32>
      %swap3A_136 = vector.shape_cast %get3A_131 : vector<16xf32> to vector<1x16xf32>
      tpu.vector_store %arg12[%swap3A_132, %swap3A_133], %swap3A_136 {add = true, strides = array<i32>} : memref<112x128xf32, #tpu.memory_space<vmem>>, vector<1x16xf32>,
      %add3A_137 = arith.constant 0 : i32
      %add3A_138 = arith.addi %add3A_86, %add3A_137 : i32
      %add3A_139 = arith.constant 0 : i32
      %add3A_140 = arith.addi %add3A_86, %add3A_139 : i32
      %get3A_141 = arith.index_cast %add3A_140 : i32 to index
      %get3A_142 = arith.constant 64 : index
      %get3A_143 = tpu.vector_load %arg14[%get3A_141, %get3A_142] {strides = array<i32>} : memref<112x128xf32, #tpu.memory_space<vmem>>, vector<1x16xf32>,
      %get3A_144 = vector.shape_cast %get3A_143 : vector<1x16xf32> to vector<16xf32>
      %swap3A_145 = arith.index_cast %add3A_138 : i32 to index
      %swap3A_146 = arith.constant 64 : index
      %swap3A_147 = tpu.vector_load %arg12[%swap3A_145, %swap3A_146] {strides = array<i32>} : memref<112x128xf32, #tpu.memory_space<vmem>>, vector<1x16xf32>,
      %swap3A_148 = vector.shape_cast %swap3A_147 : vector<1x16xf32> to vector<16xf32>
      %swap3A_149 = vector.shape_cast %get3A_144 : vector<16xf32> to vector<1x16xf32>
      tpu.vector_store %arg12[%swap3A_145, %swap3A_146], %swap3A_149 {add = true, strides = array<i32>} : memref<112x128xf32, #tpu.memory_space<vmem>>, vector<1x16xf32>,
      %add3A_150 = arith.constant 0 : i32
      %add3A_151 = arith.addi %add3A_86, %add3A_150 : i32
      %add3A_152 = arith.constant 0 : i32
      %add3A_153 = arith.addi %add3A_86, %add3A_152 : i32
      %get3A_154 = arith.index_cast %add3A_153 : i32 to index
      %get3A_155 = arith.constant 80 : index
      %get3A_156 = tpu.vector_load %arg14[%get3A_154, %get3A_155] {strides = array<i32>} : memref<112x128xf32, #tpu.memory_space<vmem>>, vector<1x16xf32>,
      %get3A_157 = vector.shape_cast %get3A_156 : vector<1x16xf32> to vector<16xf32>
      %swap3A_158 = arith.index_cast %add3A_151 : i32 to index
      %swap3A_159 = arith.constant 80 : index
      %swap3A_160 = tpu.vector_load %arg12[%swap3A_158, %swap3A_159] {strides = array<i32>} : memref<112x128xf32, #tpu.memory_space<vmem>>, vector<1x16xf32>,
      %swap3A_161 = vector.shape_cast %swap3A_160 : vector<1x16xf32> to vector<16xf32>
      %swap3A_162 = vector.shape_cast %get3A_157 : vector<16xf32> to vector<1x16xf32>
      tpu.vector_store %arg12[%swap3A_158, %swap3A_159], %swap3A_162 {add = true, strides = array<i32>} : memref<112x128xf32, #tpu.memory_space<vmem>>, vector<1x16xf32>,
      %add3A_163 = arith.constant 0 : i32
      %add3A_164 = arith.addi %add3A_86, %add3A_163 : i32
      %add3A_165 = arith.constant 0 : i32
      %add3A_166 = arith.addi %add3A_86, %add3A_165 : i32
      %get3A_167 = arith.index_cast %add3A_166 : i32 to index
      %get3A_168 = arith.constant 96 : index
      %get3A_169 = tpu.vector_load %arg14[%get3A_167, %get3A_168] {strides = array<i32>} : memref<112x128xf32, #tpu.memory_space<vmem>>, vector<1x16xf32>,
      %get3A_170 = vector.shape_cast %get3A_169 : vector<1x16xf32> to vector<16xf32>
      %swap3A_171 = arith.index_cast %add3A_164 : i32 to index
      %swap3A_172 = arith.constant 96 : index
      %swap3A_173 = tpu.vector_load %arg12[%swap3A_171, %swap3A_172] {strides = array<i32>} : memref<112x128xf32, #tpu.memory_space<vmem>>, vector<1x16xf32>,
      %swap3A_174 = vector.shape_cast %swap3A_173 : vector<1x16xf32> to vector<16xf32>
      %swap3A_175 = vector.shape_cast %get3A_170 : vector<16xf32> to vector<1x16xf32>
      tpu.vector_store %arg12[%swap3A_171, %swap3A_172], %swap3A_175 {add = true, strides = array<i32>} : memref<112x128xf32, #tpu.memory_space<vmem>>, vector<1x16xf32>,
      %add3A_176 = arith.constant 0 : i32
      %add3A_177 = arith.addi %add3A_86, %add3A_176 : i32
      %add3A_178 = arith.constant 0 : i32
      %add3A_179 = arith.addi %add3A_86, %add3A_178 : i32
      %get3A_180 = arith.index_cast %add3A_179 : i32 to index
      %get3A_181 = arith.constant 112 : index
      %get3A_182 = tpu.vector_load %arg14[%get3A_180, %get3A_181] {strides = array<i32>} : memref<112x128xf32, #tpu.memory_space<vmem>>, vector<1x16xf32>,
      %get3A_183 = vector.shape_cast %get3A_182 : vector<1x16xf32> to vector<16xf32>
      %swap3A_184 = arith.index_cast %add3A_177 : i32 to index
      %swap3A_185 = arith.constant 112 : index
      %swap3A_186 = tpu.vector_load %arg12[%swap3A_184, %swap3A_185] {strides = array<i32>} : memref<112x128xf32, #tpu.memory_space<vmem>>, vector<1x16xf32>,
      %swap3A_187 = vector.shape_cast %swap3A_186 : vector<1x16xf32> to vector<16xf32>
      %swap3A_188 = vector.shape_cast %get3A_183 : vector<16xf32> to vector<1x16xf32>
      tpu.vector_store %arg12[%swap3A_184, %swap3A_185], %swap3A_188 {add = true, strides = array<i32>} : memref<112x128xf32, #tpu.memory_space<vmem>>, vector<1x16xf32>,
      %add3A_189 = arith.constant 1 : i32
      %add3A_190 = arith.addi %add3A_86, %add3A_189 : i32
      %add3A_191 = arith.constant 1 : i32
      %add3A_192 = arith.addi %add3A_86, %add3A_191 : i32
      %get3A_193 = arith.index_cast %add3A_192 : i32 to index
      %get3A_194 = arith.constant 0 : index
      %get3A_195 = tpu.vector_load %arg14[%get3A_193, %get3A_194] {strides = array<i32>} : memref<112x128xf32, #tpu.memory_space<vmem>>, vector<1x16xf32>,
      %get3A_196 = vector.shape_cast %get3A_195 : vector<1x16xf32> to vector<16xf32>
      %swap3A_197 = arith.index_cast %add3A_190 : i32 to index
      %swap3A_198 = arith.constant 0 : index
      %swap3A_199 = tpu.vector_load %arg12[%swap3A_197, %swap3A_198] {strides = array<i32>} : memref<112x128xf32, #tpu.memory_space<vmem>>, vector<1x16xf32>,
      %swap3A_200 = vector.shape_cast %swap3A_199 : vector<1x16xf32> to vector<16xf32>
      %swap3A_201 = vector.shape_cast %get3A_196 : vector<16xf32> to vector<1x16xf32>
      tpu.vector_store %arg12[%swap3A_197, %swap3A_198], %swap3A_201 {add = true, strides = array<i32>} : memref<112x128xf32, #tpu.memory_space<vmem>>, vector<1x16xf32>,
      %add3A_202 = arith.constant 1 : i32
      %add3A_203 = arith.addi %add3A_86, %add3A_202 : i32
      %add3A_204 = arith.constant 1 : i32
      %add3A_205 = arith.addi %add3A_86, %add3A_204 : i32
      %get3A_206 = arith.index_cast %add3A_205 : i32 to index
      %get3A_207 = arith.constant 16 : index
      %get3A_208 = tpu.vector_load %arg14[%get3A_206, %get3A_207] {strides = array<i32>} : memref<112x128xf32, #tpu.memory_space<vmem>>, vector<1x16xf32>,
      %get3A_209 = vector.shape_cast %get3A_208 : vector<1x16xf32> to vector<16xf32>
      %swap3A_210 = arith.index_cast %add3A_203 : i32 to index
      %swap3A_211 = arith.constant 16 : index
      %swap3A_212 = tpu.vector_load %arg12[%swap3A_210, %swap3A_211] {strides = array<i32>} : memref<112x128xf32, #tpu.memory_space<vmem>>, vector<1x16xf32>,
      %swap3A_213 = vector.shape_cast %swap3A_212 : vector<1x16xf32> to vector<16xf32>
      %swap3A_214 = vector.shape_cast %get3A_209 : vector<16xf32> to vector<1x16xf32>
      tpu.vector_store %arg12[%swap3A_210, %swap3A_211], %swap3A_214 {add = true, strides = array<i32>} : memref<112x128xf32, #tpu.memory_space<vmem>>, vector<1x16xf32>,
      %add3A_215 = arith.constant 1 : i32
      %add3A_216 = arith.addi %add3A_86, %add3A_215 : i32
      %add3A_217 = arith.constant 1 : i32
      %add3A_218 = arith.addi %add3A_86, %add3A_217 : i32
      %get3A_219 = arith.index_cast %add3A_218 : i32 to index
      %get3A_220 = arith.constant 32 : index
      %get3A_221 = tpu.vector_load %arg14[%get3A_219, %get3A_220] {strides = array<i32>} : memref<112x128xf32, #tpu.memory_space<vmem>>, vector<1x16xf32>,
      %get3A_222 = vector.shape_cast %get3A_221 : vector<1x16xf32> to vector<16xf32>
      %swap3A_223 = arith.index_cast %add3A_216 : i32 to index
      %swap3A_224 = arith.constant 32 : index
      %swap3A_225 = tpu.vector_load %arg12[%swap3A_223, %swap3A_224] {strides = array<i32>} : memref<112x128xf32, #tpu.memory_space<vmem>>, vector<1x16xf32>,
      %swap3A_226 = vector.shape_cast %swap3A_225 : vector<1x16xf32> to vector<16xf32>
      %swap3A_227 = vector.shape_cast %get3A_222 : vector<16xf32> to vector<1x16xf32>
      tpu.vector_store %arg12[%swap3A_223, %swap3A_224], %swap3A_227 {add = true, strides = array<i32>} : memref<112x128xf32, #tpu.memory_space<vmem>>, vector<1x16xf32>,
      %add3A_228 = arith.constant 1 : i32
      %add3A_229 = arith.addi %add3A_86, %add3A_228 : i32
      %add3A_230 = arith.constant 1 : i32
      %add3A_231 = arith.addi %add3A_86, %add3A_230 : i32
      %get3A_232 = arith.index_cast %add3A_231 : i32 to index
      %get3A_233 = arith.constant 48 : index
      %get3A_234 = tpu.vector_load %arg14[%get3A_232, %get3A_233] {strides = array<i32>} : memref<112x128xf32, #tpu.memory_space<vmem>>, vector<1x16xf32>,
      %get3A_235 = vector.shape_cast %get3A_234 : vector<1x16xf32> to vector<16xf32>
      %swap3A_236 = arith.index_cast %add3A_229 : i32 to index
      %swap3A_237 = arith.constant 48 : index
      %swap3A_238 = tpu.vector_load %arg12[%swap3A_236, %swap3A_237] {strides = array<i32>} : memref<112x128xf32, #tpu.memory_space<vmem>>, vector<1x16xf32>,
      %swap3A_239 = vector.shape_cast %swap3A_238 : vector<1x16xf32> to vector<16xf32>
      %swap3A_240 = vector.shape_cast %get3A_235 : vector<16xf32> to vector<1x16xf32>
      tpu.vector_store %arg12[%swap3A_236, %swap3A_237], %swap3A_240 {add = true, strides = array<i32>} : memref<112x128xf32, #tpu.memory_space<vmem>>, vector<1x16xf32>,
      %add3A_241 = arith.constant 1 : i32
      %add3A_242 = arith.addi %add3A_86, %add3A_241 : i32
      %add3A_243 = arith.constant 1 : i32
      %add3A_244 = arith.addi %add3A_86, %add3A_243 : i32
      %get3A_245 = arith.index_cast %add3A_244 : i32 to index
      %get3A_246 = arith.constant 64 : index
      %get3A_247 = tpu.vector_load %arg14[%get3A_245, %get3A_246] {strides = array<i32>} : memref<112x128xf32, #tpu.memory_space<vmem>>, vector<1x16xf32>,
      %get3A_248 = vector.shape_cast %get3A_247 : vector<1x16xf32> to vector<16xf32>
      %swap3A_249 = arith.index_cast %add3A_242 : i32 to index
      %swap3A_250 = arith.constant 64 : index
      %swap3A_251 = tpu.vector_load %arg12[%swap3A_249, %swap3A_250] {strides = array<i32>} : memref<112x128xf32, #tpu.memory_space<vmem>>, vector<1x16xf32>,
      %swap3A_252 = vector.shape_cast %swap3A_251 : vector<1x16xf32> to vector<16xf32>
      %swap3A_253 = vector.shape_cast %get3A_248 : vector<16xf32> to vector<1x16xf32>
      tpu.vector_store %arg12[%swap3A_249, %swap3A_250], %swap3A_253 {add = true, strides = array<i32>} : memref<112x128xf32, #tpu.memory_space<vmem>>, vector<1x16xf32>,
      %add3A_254 = arith.constant 1 : i32
      %add3A_255 = arith.addi %add3A_86, %add3A_254 : i32
      %add3A_256 = arith.constant 1 : i32
      %add3A_257 = arith.addi %add3A_86, %add3A_256 : i32
      %get3A_258 = arith.index_cast %add3A_257 : i32 to index
      %get3A_259 = arith.constant 80 : index
      %get3A_260 = tpu.vector_load %arg14[%get3A_258, %get3A_259] {strides = array<i32>} : memref<112x128xf32, #tpu.memory_space<vmem>>, vector<1x16xf32>,
      %get3A_261 = vector.shape_cast %get3A_260 : vector<1x16xf32> to vector<16xf32>
      %swap3A_262 = arith.index_cast %add3A_255 : i32 to index
      %swap3A_263 = arith.constant 80 : index
      %swap3A_264 = tpu.vector_load %arg12[%swap3A_262, %swap3A_263] {strides = array<i32>} : memref<112x128xf32, #tpu.memory_space<vmem>>, vector<1x16xf32>,
      %swap3A_265 = vector.shape_cast %swap3A_264 : vector<1x16xf32> to vector<16xf32>
      %swap3A_266 = vector.shape_cast %get3A_261 : vector<16xf32> to vector<1x16xf32>
      tpu.vector_store %arg12[%swap3A_262, %swap3A_263], %swap3A_266 {add = true, strides = array<i32>} : memref<112x128xf32, #tpu.memory_space<vmem>>, vector<1x16xf32>,
      %add3A_267 = arith.constant 1 : i32
      %add3A_268 = arith.addi %add3A_86, %add3A_267 : i32
      %add3A_269 = arith.constant 1 : i32
      %add3A_270 = arith.addi %add3A_86, %add3A_269 : i32
      %get3A_271 = arith.index_cast %add3A_270 : i32 to index
      %get3A_272 = arith.constant 96 : index
      %get3A_273 = tpu.vector_load %arg14[%get3A_271, %get3A_272] {strides = array<i32>} : memref<112x128xf32, #tpu.memory_space<vmem>>, vector<1x16xf32>,
      %get3A_274 = vector.shape_cast %get3A_273 : vector<1x16xf32> to vector<16xf32>
      %swap3A_275 = arith.index_cast %add3A_268 : i32 to index
      %swap3A_276 = arith.constant 96 : index
      %swap3A_277 = tpu.vector_load %arg12[%swap3A_275, %swap3A_276] {strides = array<i32>} : memref<112x128xf32, #tpu.memory_space<vmem>>, vector<1x16xf32>,
      %swap3A_278 = vector.shape_cast %swap3A_277 : vector<1x16xf32> to vector<16xf32>
      %swap3A_279 = vector.shape_cast %get3A_274 : vector<16xf32> to vector<1x16xf32>
      tpu.vector_store %arg12[%swap3A_275, %swap3A_276], %swap3A_279 {add = true, strides = array<i32>} : memref<112x128xf32, #tpu.memory_space<vmem>>, vector<1x16xf32>,
      %add3A_280 = arith.constant 1 : i32
      %add3A_281 = arith.addi %add3A_86, %add3A_280 : i32
      %add3A_282 = arith.constant 1 : i32
      %add3A_283 = arith.addi %add3A_86, %add3A_282 : i32
      %get3A_284 = arith.index_cast %add3A_283 : i32 to index
      %get3A_285 = arith.constant 112 : index
      %get3A_286 = tpu.vector_load %arg14[%get3A_284, %get3A_285] {strides = array<i32>} : memref<112x128xf32, #tpu.memory_space<vmem>>, vector<1x16xf32>,
      %get3A_287 = vector.shape_cast %get3A_286 : vector<1x16xf32> to vector<16xf32>
      %swap3A_288 = arith.index_cast %add3A_281 : i32 to index
      %swap3A_289 = arith.constant 112 : index
      %swap3A_290 = tpu.vector_load %arg12[%swap3A_288, %swap3A_289] {strides = array<i32>} : memref<112x128xf32, #tpu.memory_space<vmem>>, vector<1x16xf32>,
      %swap3A_291 = vector.shape_cast %swap3A_290 : vector<1x16xf32> to vector<16xf32>
      %swap3A_292 = vector.shape_cast %get3A_287 : vector<16xf32> to vector<1x16xf32>
      tpu.vector_store %arg12[%swap3A_288, %swap3A_289], %swap3A_292 {add = true, strides = array<i32>} : memref<112x128xf32, #tpu.memory_space<vmem>>, vector<1x16xf32>,
    }
    %scan3A_42 = arith.constant 56 : i32
    %mul3A_43 = arith.constant 112 : i32
    %mul3A_44 = arith.muli %sub3A_32, %mul3A_43 : i32
    %dma_start3A_45 = arith.constant 0 : i32
    %dma_start3A_46 = tpu.memref_slice %arg5[%mul3A_44, %dma_start3A_45] : memref<100352x128xf32, #tpu.memory_space<hbm>> -> memref<112x128xf32, #tpu.memory_space<hbm>>
    %dma_start3A_47 = arith.constant 0 : i32
    %dma_start3A_48 = tpu.memref_slice %arg5[%mul3A_44, %dma_start3A_47] : memref<100352x128xf32, #tpu.memory_space<hbm>> -> memref<112x128xf32, #tpu.memory_space<hbm>>
    tpu.enqueue_dma source(%arg12 : memref<112x128xf32, #tpu.memory_space<vmem>>) target(%dma_start3A_48 : memref<112x128xf32, #tpu.memory_space<hbm>>) target_semaphore(%arg20 : memref<!tpu.dma_semaphore, #tpu.memory_space<semaphore_mem>>)
    %add3A_49 = arith.constant 28 : i32
    %add3A_50 = arith.addi %mul3A_2, %add3A_49 : i32
    %sub3A_51 = arith.constant 1 : i32
    %sub3A_52 = arith.subi %add3A_50, %sub3A_51 : i32
    %dma_wait3A_53 = arith.constant 0 : i32
    %dma_wait3A_54 = arith.constant 0 : i32
    %dma_wait3A_55 = tpu.memref_slice %arg3[%dma_wait3A_53, %dma_wait3A_54] : memref<2058x128xf32, #tpu.memory_space<hbm>> -> memref<2058x128xf32, #tpu.memory_space<hbm>>
    tpu.wait_indirect_dma semaphore(%arg17 : memref<!tpu.dma_semaphore, #tpu.memory_space<semaphore_mem>>) src(%dma_wait3A_55 : memref<2058x128xf32, #tpu.memory_space<hbm>>) dst(%arg13 : memref<112x128xf32, #tpu.memory_space<vmem>>)
    %dma_wait3A_56 = arith.constant 0 : i32
    %dma_wait3A_57 = arith.constant 0 : i32
    %dma_wait3A_58 = tpu.memref_slice %arg4[%dma_wait3A_56, %dma_wait3A_57] : memref<10030x128xf32, #tpu.memory_space<hbm>> -> memref<10030x128xf32, #tpu.memory_space<hbm>>
    tpu.wait_indirect_dma semaphore(%arg19 : memref<!tpu.dma_semaphore, #tpu.memory_space<semaphore_mem>>) src(%dma_wait3A_58 : memref<10030x128xf32, #tpu.memory_space<hbm>>) dst(%arg15 : memref<112x128xf32, #tpu.memory_space<vmem>>)
    %scan3A_59 = arith.constant 0 : i32
    %scan3A_60 = arith.constant 56 : i32
    %scan3A_61 = arith.addi %scan3A_59, %scan3A_60 : i32
    %scan3A_62 = arith.constant 1 : i32
    scf.for %scan3A_82 = %scan3A_59 to %scan3A_61 step %scan3A_62  : i32 {
      %mul3A_83 = arith.constant 2 : i32
      %mul3A_84 = arith.muli %scan3A_82, %mul3A_83 : i32
      %add3A_85 = arith.constant 0 : i32
      %add3A_86 = arith.addi %add3A_85, %mul3A_84 : i32
      %add3A_87 = arith.constant 0 : i32
      %add3A_88 = arith.addi %add3A_86, %add3A_87 : i32
      %add3A_89 = arith.constant 0 : i32
      %add3A_90 = arith.addi %add3A_86, %add3A_89 : i32
      %get3A = arith.index_cast %add3A_90 : i32 to index
      %get3A_91 = arith.constant 0 : index
      %get3A_92 = tpu.vector_load %arg15[%get3A, %get3A_91] {strides = array<i32>} : memref<112x128xf32, #tpu.memory_space<vmem>>, vector<1x16xf32>,
      %get3A_93 = vector.shape_cast %get3A_92 : vector<1x16xf32> to vector<16xf32>
      %swap3A = arith.index_cast %add3A_88 : i32 to index
      %swap3A_94 = arith.constant 0 : index
      %swap3A_95 = tpu.vector_load %arg13[%swap3A, %swap3A_94] {strides = array<i32>} : memref<112x128xf32, #tpu.memory_space<vmem>>, vector<1x16xf32>,
      %swap3A_96 = vector.shape_cast %swap3A_95 : vector<1x16xf32> to vector<16xf32>
      %swap3A_97 = vector.shape_cast %get3A_93 : vector<16xf32> to vector<1x16xf32>
      tpu.vector_store %arg13[%swap3A, %swap3A_94], %swap3A_97 {add = true, strides = array<i32>} : memref<112x128xf32, #tpu.memory_space<vmem>>, vector<1x16xf32>,
      %add3A_98 = arith.constant 0 : i32
      %add3A_99 = arith.addi %add3A_86, %add3A_98 : i32
      %add3A_100 = arith.constant 0 : i32
      %add3A_101 = arith.addi %add3A_86, %add3A_100 : i32
      %get3A_102 = arith.index_cast %add3A_101 : i32 to index
      %get3A_103 = arith.constant 16 : index
      %get3A_104 = tpu.vector_load %arg15[%get3A_102, %get3A_103] {strides = array<i32>} : memref<112x128xf32, #tpu.memory_space<vmem>>, vector<1x16xf32>,
      %get3A_105 = vector.shape_cast %get3A_104 : vector<1x16xf32> to vector<16xf32>
      %swap3A_106 = arith.index_cast %add3A_99 : i32 to index
      %swap3A_107 = arith.constant 16 : index
      %swap3A_108 = tpu.vector_load %arg13[%swap3A_106, %swap3A_107] {strides = array<i32>} : memref<112x128xf32, #tpu.memory_space<vmem>>, vector<1x16xf32>,
      %swap3A_109 = vector.shape_cast %swap3A_108 : vector<1x16xf32> to vector<16xf32>
      %swap3A_110 = vector.shape_cast %get3A_105 : vector<16xf32> to vector<1x16xf32>
      tpu.vector_store %arg13[%swap3A_106, %swap3A_107], %swap3A_110 {add = true, strides = array<i32>} : memref<112x128xf32, #tpu.memory_space<vmem>>, vector<1x16xf32>,
      %add3A_111 = arith.constant 0 : i32
      %add3A_112 = arith.addi %add3A_86, %add3A_111 : i32
      %add3A_113 = arith.constant 0 : i32
      %add3A_114 = arith.addi %add3A_86, %add3A_113 : i32
      %get3A_115 = arith.index_cast %add3A_114 : i32 to index
      %get3A_116 = arith.constant 32 : index
      %get3A_117 = tpu.vector_load %arg15[%get3A_115, %get3A_116] {strides = array<i32>} : memref<112x128xf32, #tpu.memory_space<vmem>>, vector<1x16xf32>,
      %get3A_118 = vector.shape_cast %get3A_117 : vector<1x16xf32> to vector<16xf32>
      %swap3A_119 = arith.index_cast %add3A_112 : i32 to index
      %swap3A_120 = arith.constant 32 : index
      %swap3A_121 = tpu.vector_load %arg13[%swap3A_119, %swap3A_120] {strides = array<i32>} : memref<112x128xf32, #tpu.memory_space<vmem>>, vector<1x16xf32>,
      %swap3A_122 = vector.shape_cast %swap3A_121 : vector<1x16xf32> to vector<16xf32>
      %swap3A_123 = vector.shape_cast %get3A_118 : vector<16xf32> to vector<1x16xf32>
      tpu.vector_store %arg13[%swap3A_119, %swap3A_120], %swap3A_123 {add = true, strides = array<i32>} : memref<112x128xf32, #tpu.memory_space<vmem>>, vector<1x16xf32>,
      %add3A_124 = arith.constant 0 : i32
      %add3A_125 = arith.addi %add3A_86, %add3A_124 : i32
      %add3A_126 = arith.constant 0 : i32
      %add3A_127 = arith.addi %add3A_86, %add3A_126 : i32
      %get3A_128 = arith.index_cast %add3A_127 : i32 to index
      %get3A_129 = arith.constant 48 : index
      %get3A_130 = tpu.vector_load %arg15[%get3A_128, %get3A_129] {strides = array<i32>} : memref<112x128xf32, #tpu.memory_space<vmem>>, vector<1x16xf32>,
      %get3A_131 = vector.shape_cast %get3A_130 : vector<1x16xf32> to vector<16xf32>
      %swap3A_132 = arith.index_cast %add3A_125 : i32 to index
      %swap3A_133 = arith.constant 48 : index
      %swap3A_134 = tpu.vector_load %arg13[%swap3A_132, %swap3A_133] {strides = array<i32>} : memref<112x128xf32, #tpu.memory_space<vmem>>, vector<1x16xf32>,
      %swap3A_135 = vector.shape_cast %swap3A_134 : vector<1x16xf32> to vector<16xf32>
      %swap3A_136 = vector.shape_cast %get3A_131 : vector<16xf32> to vector<1x16xf32>
      tpu.vector_store %arg13[%swap3A_132, %swap3A_133], %swap3A_136 {add = true, strides = array<i32>} : memref<112x128xf32, #tpu.memory_space<vmem>>, vector<1x16xf32>,
      %add3A_137 = arith.constant 0 : i32
      %add3A_138 = arith.addi %add3A_86, %add3A_137 : i32
      %add3A_139 = arith.constant 0 : i32
      %add3A_140 = arith.addi %add3A_86, %add3A_139 : i32
      %get3A_141 = arith.index_cast %add3A_140 : i32 to index
      %get3A_142 = arith.constant 64 : index
      %get3A_143 = tpu.vector_load %arg15[%get3A_141, %get3A_142] {strides = array<i32>} : memref<112x128xf32, #tpu.memory_space<vmem>>, vector<1x16xf32>,
      %get3A_144 = vector.shape_cast %get3A_143 : vector<1x16xf32> to vector<16xf32>
      %swap3A_145 = arith.index_cast %add3A_138 : i32 to index
      %swap3A_146 = arith.constant 64 : index
      %swap3A_147 = tpu.vector_load %arg13[%swap3A_145, %swap3A_146] {strides = array<i32>} : memref<112x128xf32, #tpu.memory_space<vmem>>, vector<1x16xf32>,
      %swap3A_148 = vector.shape_cast %swap3A_147 : vector<1x16xf32> to vector<16xf32>
      %swap3A_149 = vector.shape_cast %get3A_144 : vector<16xf32> to vector<1x16xf32>
      tpu.vector_store %arg13[%swap3A_145, %swap3A_146], %swap3A_149 {add = true, strides = array<i32>} : memref<112x128xf32, #tpu.memory_space<vmem>>, vector<1x16xf32>,
      %add3A_150 = arith.constant 0 : i32
      %add3A_151 = arith.addi %add3A_86, %add3A_150 : i32
      %add3A_152 = arith.constant 0 : i32
      %add3A_153 = arith.addi %add3A_86, %add3A_152 : i32
      %get3A_154 = arith.index_cast %add3A_153 : i32 to index
      %get3A_155 = arith.constant 80 : index
      %get3A_156 = tpu.vector_load %arg15[%get3A_154, %get3A_155] {strides = array<i32>} : memref<112x128xf32, #tpu.memory_space<vmem>>, vector<1x16xf32>,
      %get3A_157 = vector.shape_cast %get3A_156 : vector<1x16xf32> to vector<16xf32>
      %swap3A_158 = arith.index_cast %add3A_151 : i32 to index
      %swap3A_159 = arith.constant 80 : index
      %swap3A_160 = tpu.vector_load %arg13[%swap3A_158, %swap3A_159] {strides = array<i32>} : memref<112x128xf32, #tpu.memory_space<vmem>>, vector<1x16xf32>,
      %swap3A_161 = vector.shape_cast %swap3A_160 : vector<1x16xf32> to vector<16xf32>
      %swap3A_162 = vector.shape_cast %get3A_157 : vector<16xf32> to vector<1x16xf32>
      tpu.vector_store %arg13[%swap3A_158, %swap3A_159], %swap3A_162 {add = true, strides = array<i32>} : memref<112x128xf32, #tpu.memory_space<vmem>>, vector<1x16xf32>,
      %add3A_163 = arith.constant 0 : i32
      %add3A_164 = arith.addi %add3A_86, %add3A_163 : i32
      %add3A_165 = arith.constant 0 : i32
      %add3A_166 = arith.addi %add3A_86, %add3A_165 : i32
      %get3A_167 = arith.index_cast %add3A_166 : i32 to index
      %get3A_168 = arith.constant 96 : index
      %get3A_169 = tpu.vector_load %arg15[%get3A_167, %get3A_168] {strides = array<i32>} : memref<112x128xf32, #tpu.memory_space<vmem>>, vector<1x16xf32>,
      %get3A_170 = vector.shape_cast %get3A_169 : vector<1x16xf32> to vector<16xf32>
      %swap3A_171 = arith.index_cast %add3A_164 : i32 to index
      %swap3A_172 = arith.constant 96 : index
      %swap3A_173 = tpu.vector_load %arg13[%swap3A_171, %swap3A_172] {strides = array<i32>} : memref<112x128xf32, #tpu.memory_space<vmem>>, vector<1x16xf32>,
      %swap3A_174 = vector.shape_cast %swap3A_173 : vector<1x16xf32> to vector<16xf32>
      %swap3A_175 = vector.shape_cast %get3A_170 : vector<16xf32> to vector<1x16xf32>
      tpu.vector_store %arg13[%swap3A_171, %swap3A_172], %swap3A_175 {add = true, strides = array<i32>} : memref<112x128xf32, #tpu.memory_space<vmem>>, vector<1x16xf32>,
      %add3A_176 = arith.constant 0 : i32
      %add3A_177 = arith.addi %add3A_86, %add3A_176 : i32
      %add3A_178 = arith.constant 0 : i32
      %add3A_179 = arith.addi %add3A_86, %add3A_178 : i32
      %get3A_180 = arith.index_cast %add3A_179 : i32 to index
      %get3A_181 = arith.constant 112 : index
      %get3A_182 = tpu.vector_load %arg15[%get3A_180, %get3A_181] {strides = array<i32>} : memref<112x128xf32, #tpu.memory_space<vmem>>, vector<1x16xf32>,
      %get3A_183 = vector.shape_cast %get3A_182 : vector<1x16xf32> to vector<16xf32>
      %swap3A_184 = arith.index_cast %add3A_177 : i32 to index
      %swap3A_185 = arith.constant 112 : index
      %swap3A_186 = tpu.vector_load %arg13[%swap3A_184, %swap3A_185] {strides = array<i32>} : memref<112x128xf32, #tpu.memory_space<vmem>>, vector<1x16xf32>,
      %swap3A_187 = vector.shape_cast %swap3A_186 : vector<1x16xf32> to vector<16xf32>
      %swap3A_188 = vector.shape_cast %get3A_183 : vector<16xf32> to vector<1x16xf32>
      tpu.vector_store %arg13[%swap3A_184, %swap3A_185], %swap3A_188 {add = true, strides = array<i32>} : memref<112x128xf32, #tpu.memory_space<vmem>>, vector<1x16xf32>,
      %add3A_189 = arith.constant 1 : i32
      %add3A_190 = arith.addi %add3A_86, %add3A_189 : i32
      %add3A_191 = arith.constant 1 : i32
      %add3A_192 = arith.addi %add3A_86, %add3A_191 : i32
      %get3A_193 = arith.index_cast %add3A_192 : i32 to index
      %get3A_194 = arith.constant 0 : index
      %get3A_195 = tpu.vector_load %arg15[%get3A_193, %get3A_194] {strides = array<i32>} : memref<112x128xf32, #tpu.memory_space<vmem>>, vector<1x16xf32>,
      %get3A_196 = vector.shape_cast %get3A_195 : vector<1x16xf32> to vector<16xf32>
      %swap3A_197 = arith.index_cast %add3A_190 : i32 to index
      %swap3A_198 = arith.constant 0 : index
      %swap3A_199 = tpu.vector_load %arg13[%swap3A_197, %swap3A_198] {strides = array<i32>} : memref<112x128xf32, #tpu.memory_space<vmem>>, vector<1x16xf32>,
      %swap3A_200 = vector.shape_cast %swap3A_199 : vector<1x16xf32> to vector<16xf32>
      %swap3A_201 = vector.shape_cast %get3A_196 : vector<16xf32> to vector<1x16xf32>
      tpu.vector_store %arg13[%swap3A_197, %swap3A_198], %swap3A_201 {add = true, strides = array<i32>} : memref<112x128xf32, #tpu.memory_space<vmem>>, vector<1x16xf32>,
      %add3A_202 = arith.constant 1 : i32
      %add3A_203 = arith.addi %add3A_86, %add3A_202 : i32
      %add3A_204 = arith.constant 1 : i32
      %add3A_205 = arith.addi %add3A_86, %add3A_204 : i32
      %get3A_206 = arith.index_cast %add3A_205 : i32 to index
      %get3A_207 = arith.constant 16 : index
      %get3A_208 = tpu.vector_load %arg15[%get3A_206, %get3A_207] {strides = array<i32>} : memref<112x128xf32, #tpu.memory_space<vmem>>, vector<1x16xf32>,
      %get3A_209 = vector.shape_cast %get3A_208 : vector<1x16xf32> to vector<16xf32>
      %swap3A_210 = arith.index_cast %add3A_203 : i32 to index
      %swap3A_211 = arith.constant 16 : index
      %swap3A_212 = tpu.vector_load %arg13[%swap3A_210, %swap3A_211] {strides = array<i32>} : memref<112x128xf32, #tpu.memory_space<vmem>>, vector<1x16xf32>,
      %swap3A_213 = vector.shape_cast %swap3A_212 : vector<1x16xf32> to vector<16xf32>
      %swap3A_214 = vector.shape_cast %get3A_209 : vector<16xf32> to vector<1x16xf32>
      tpu.vector_store %arg13[%swap3A_210, %swap3A_211], %swap3A_214 {add = true, strides = array<i32>} : memref<112x128xf32, #tpu.memory_space<vmem>>, vector<1x16xf32>,
      %add3A_215 = arith.constant 1 : i32
      %add3A_216 = arith.addi %add3A_86, %add3A_215 : i32
      %add3A_217 = arith.constant 1 : i32
      %add3A_218 = arith.addi %add3A_86, %add3A_217 : i32
      %get3A_219 = arith.index_cast %add3A_218 : i32 to index
      %get3A_220 = arith.constant 32 : index
      %get3A_221 = tpu.vector_load %arg15[%get3A_219, %get3A_220] {strides = array<i32>} : memref<112x128xf32, #tpu.memory_space<vmem>>, vector<1x16xf32>,
      %get3A_222 = vector.shape_cast %get3A_221 : vector<1x16xf32> to vector<16xf32>
      %swap3A_223 = arith.index_cast %add3A_216 : i32 to index
      %swap3A_224 = arith.constant 32 : index
      %swap3A_225 = tpu.vector_load %arg13[%swap3A_223, %swap3A_224] {strides = array<i32>} : memref<112x128xf32, #tpu.memory_space<vmem>>, vector<1x16xf32>,
      %swap3A_226 = vector.shape_cast %swap3A_225 : vector<1x16xf32> to vector<16xf32>
      %swap3A_227 = vector.shape_cast %get3A_222 : vector<16xf32> to vector<1x16xf32>
      tpu.vector_store %arg13[%swap3A_223, %swap3A_224], %swap3A_227 {add = true, strides = array<i32>} : memref<112x128xf32, #tpu.memory_space<vmem>>, vector<1x16xf32>,
      %add3A_228 = arith.constant 1 : i32
      %add3A_229 = arith.addi %add3A_86, %add3A_228 : i32
      %add3A_230 = arith.constant 1 : i32
      %add3A_231 = arith.addi %add3A_86, %add3A_230 : i32
      %get3A_232 = arith.index_cast %add3A_231 : i32 to index
      %get3A_233 = arith.constant 48 : index
      %get3A_234 = tpu.vector_load %arg15[%get3A_232, %get3A_233] {strides = array<i32>} : memref<112x128xf32, #tpu.memory_space<vmem>>, vector<1x16xf32>,
      %get3A_235 = vector.shape_cast %get3A_234 : vector<1x16xf32> to vector<16xf32>
      %swap3A_236 = arith.index_cast %add3A_229 : i32 to index
      %swap3A_237 = arith.constant 48 : index
      %swap3A_238 = tpu.vector_load %arg13[%swap3A_236, %swap3A_237] {strides = array<i32>} : memref<112x128xf32, #tpu.memory_space<vmem>>, vector<1x16xf32>,
      %swap3A_239 = vector.shape_cast %swap3A_238 : vector<1x16xf32> to vector<16xf32>
      %swap3A_240 = vector.shape_cast %get3A_235 : vector<16xf32> to vector<1x16xf32>
      tpu.vector_store %arg13[%swap3A_236, %swap3A_237], %swap3A_240 {add = true, strides = array<i32>} : memref<112x128xf32, #tpu.memory_space<vmem>>, vector<1x16xf32>,
      %add3A_241 = arith.constant 1 : i32
      %add3A_242 = arith.addi %add3A_86, %add3A_241 : i32
      %add3A_243 = arith.constant 1 : i32
      %add3A_244 = arith.addi %add3A_86, %add3A_243 : i32
      %get3A_245 = arith.index_cast %add3A_244 : i32 to index
      %get3A_246 = arith.constant 64 : index
      %get3A_247 = tpu.vector_load %arg15[%get3A_245, %get3A_246] {strides = array<i32>} : memref<112x128xf32, #tpu.memory_space<vmem>>, vector<1x16xf32>,
      %get3A_248 = vector.shape_cast %get3A_247 : vector<1x16xf32> to vector<16xf32>
      %swap3A_249 = arith.index_cast %add3A_242 : i32 to index
      %swap3A_250 = arith.constant 64 : index
      %swap3A_251 = tpu.vector_load %arg13[%swap3A_249, %swap3A_250] {strides = array<i32>} : memref<112x128xf32, #tpu.memory_space<vmem>>, vector<1x16xf32>,
      %swap3A_252 = vector.shape_cast %swap3A_251 : vector<1x16xf32> to vector<16xf32>
      %swap3A_253 = vector.shape_cast %get3A_248 : vector<16xf32> to vector<1x16xf32>
      tpu.vector_store %arg13[%swap3A_249, %swap3A_250], %swap3A_253 {add = true, strides = array<i32>} : memref<112x128xf32, #tpu.memory_space<vmem>>, vector<1x16xf32>,
      %add3A_254 = arith.constant 1 : i32
      %add3A_255 = arith.addi %add3A_86, %add3A_254 : i32
      %add3A_256 = arith.constant 1 : i32
      %add3A_257 = arith.addi %add3A_86, %add3A_256 : i32
      %get3A_258 = arith.index_cast %add3A_257 : i32 to index
      %get3A_259 = arith.constant 80 : index
      %get3A_260 = tpu.vector_load %arg15[%get3A_258, %get3A_259] {strides = array<i32>} : memref<112x128xf32, #tpu.memory_space<vmem>>, vector<1x16xf32>,
      %get3A_261 = vector.shape_cast %get3A_260 : vector<1x16xf32> to vector<16xf32>
      %swap3A_262 = arith.index_cast %add3A_255 : i32 to index
      %swap3A_263 = arith.constant 80 : index
      %swap3A_264 = tpu.vector_load %arg13[%swap3A_262, %swap3A_263] {strides = array<i32>} : memref<112x128xf32, #tpu.memory_space<vmem>>, vector<1x16xf32>,
      %swap3A_265 = vector.shape_cast %swap3A_264 : vector<1x16xf32> to vector<16xf32>
      %swap3A_266 = vector.shape_cast %get3A_261 : vector<16xf32> to vector<1x16xf32>
      tpu.vector_store %arg13[%swap3A_262, %swap3A_263], %swap3A_266 {add = true, strides = array<i32>} : memref<112x128xf32, #tpu.memory_space<vmem>>, vector<1x16xf32>,
      %add3A_267 = arith.constant 1 : i32
      %add3A_268 = arith.addi %add3A_86, %add3A_267 : i32
      %add3A_269 = arith.constant 1 : i32
      %add3A_270 = arith.addi %add3A_86, %add3A_269 : i32
      %get3A_271 = arith.index_cast %add3A_270 : i32 to index
      %get3A_272 = arith.constant 96 : index
      %get3A_273 = tpu.vector_load %arg15[%get3A_271, %get3A_272] {strides = array<i32>} : memref<112x128xf32, #tpu.memory_space<vmem>>, vector<1x16xf32>,
      %get3A_274 = vector.shape_cast %get3A_273 : vector<1x16xf32> to vector<16xf32>
      %swap3A_275 = arith.index_cast %add3A_268 : i32 to index
      %swap3A_276 = arith.constant 96 : index
      %swap3A_277 = tpu.vector_load %arg13[%swap3A_275, %swap3A_276] {strides = array<i32>} : memref<112x128xf32, #tpu.memory_space<vmem>>, vector<1x16xf32>,
      %swap3A_278 = vector.shape_cast %swap3A_277 : vector<1x16xf32> to vector<16xf32>
      %swap3A_279 = vector.shape_cast %get3A_274 : vector<16xf32> to vector<1x16xf32>
      tpu.vector_store %arg13[%swap3A_275, %swap3A_276], %swap3A_279 {add = true, strides = array<i32>} : memref<112x128xf32, #tpu.memory_space<vmem>>, vector<1x16xf32>,
      %add3A_280 = arith.constant 1 : i32
      %add3A_281 = arith.addi %add3A_86, %add3A_280 : i32
      %add3A_282 = arith.constant 1 : i32
      %add3A_283 = arith.addi %add3A_86, %add3A_282 : i32
      %get3A_284 = arith.index_cast %add3A_283 : i32 to index
      %get3A_285 = arith.constant 112 : index
      %get3A_286 = tpu.vector_load %arg15[%get3A_284, %get3A_285] {strides = array<i32>} : memref<112x128xf32, #tpu.memory_space<vmem>>, vector<1x16xf32>,
      %get3A_287 = vector.shape_cast %get3A_286 : vector<1x16xf32> to vector<16xf32>
      %swap3A_288 = arith.index_cast %add3A_281 : i32 to index
      %swap3A_289 = arith.constant 112 : index
      %swap3A_290 = tpu.vector_load %arg13[%swap3A_288, %swap3A_289] {strides = array<i32>} : memref<112x128xf32, #tpu.memory_space<vmem>>, vector<1x16xf32>,
      %swap3A_291 = vector.shape_cast %swap3A_290 : vector<1x16xf32> to vector<16xf32>
      %swap3A_292 = vector.shape_cast %get3A_287 : vector<16xf32> to vector<1x16xf32>
      tpu.vector_store %arg13[%swap3A_288, %swap3A_289], %swap3A_292 {add = true, strides = array<i32>} : memref<112x128xf32, #tpu.memory_space<vmem>>, vector<1x16xf32>,
    }
    %scan3A_63 = arith.constant 56 : i32
    %mul3A_64 = arith.constant 112 : i32
    %mul3A_65 = arith.muli %sub3A_52, %mul3A_64 : i32
    %dma_start3A_66 = arith.constant 0 : i32
    %dma_start3A_67 = tpu.memref_slice %arg5[%mul3A_65, %dma_start3A_66] : memref<100352x128xf32, #tpu.memory_space<hbm>> -> memref<112x128xf32, #tpu.memory_space<hbm>>
    %dma_start3A_68 = arith.constant 0 : i32
    %dma_start3A_69 = tpu.memref_slice %arg5[%mul3A_65, %dma_start3A_68] : memref<100352x128xf32, #tpu.memory_space<hbm>> -> memref<112x128xf32, #tpu.memory_space<hbm>>
    tpu.enqueue_dma source(%arg13 : memref<112x128xf32, #tpu.memory_space<vmem>>) target(%dma_start3A_69 : memref<112x128xf32, #tpu.memory_space<hbm>>) target_semaphore(%arg21 : memref<!tpu.dma_semaphore, #tpu.memory_space<semaphore_mem>>)
    %dma_wait3A_70 = arith.constant 0 : i32
    %dma_wait3A_71 = arith.constant 0 : i32
    %dma_wait3A_72 = tpu.memref_slice %arg5[%dma_wait3A_70, %dma_wait3A_71] : memref<100352x128xf32, #tpu.memory_space<hbm>> -> memref<112x128xf32, #tpu.memory_space<hbm>>
    %dma_wait3A_73 = arith.constant 0 : i32
    %dma_wait3A_74 = arith.constant 0 : i32
    %dma_wait3A_75 = tpu.memref_slice %arg5[%dma_wait3A_73, %dma_wait3A_74] : memref<100352x128xf32, #tpu.memory_space<hbm>> -> memref<112x128xf32, #tpu.memory_space<hbm>>
    tpu.wait_dma2 semaphore(%arg20 : memref<!tpu.dma_semaphore, #tpu.memory_space<semaphore_mem>>) src(%arg12 : memref<112x128xf32, #tpu.memory_space<vmem>>) dst(%dma_wait3A_75 : memref<112x128xf32, #tpu.memory_space<hbm>>)
    %dma_wait3A_76 = arith.constant 0 : i32
    %dma_wait3A_77 = arith.constant 0 : i32
    %dma_wait3A_78 = tpu.memref_slice %arg5[%dma_wait3A_76, %dma_wait3A_77] : memref<100352x128xf32, #tpu.memory_space<hbm>> -> memref<112x128xf32, #tpu.memory_space<hbm>>
    %dma_wait3A_79 = arith.constant 0 : i32
    %dma_wait3A_80 = arith.constant 0 : i32
    %dma_wait3A_81 = tpu.memref_slice %arg5[%dma_wait3A_79, %dma_wait3A_80] : memref<100352x128xf32, #tpu.memory_space<hbm>> -> memref<112x128xf32, #tpu.memory_space<hbm>>
    tpu.wait_dma2 semaphore(%arg21 : memref<!tpu.dma_semaphore, #tpu.memory_space<semaphore_mem>>) src(%arg13 : memref<112x128xf32, #tpu.memory_space<vmem>>) dst(%dma_wait3A_81 : memref<112x128xf32, #tpu.memory_space<hbm>>)
    return
  }
}

module attributes {stable_mosaic.version = 14 : i64} {
  func.func @body(%arg0: memref<98x128xf32, #tpu.memory_space<vmem>>, %arg1: memref<21x128xf32, #tpu.memory_space<vmem>>, %arg2: memref<98x21x128xf32, #tpu.memory_space<vmem>>) attributes {dimension_semantics = [], scalar_prefetch = 0 : i64, scratch_operands = 0 : i64, tpu.core_type = #tpu.core_type<tc>} {
    %get3A = arith.constant 0 : index
    %get3A_0 = arith.constant 0 : index
    %get3A_1 = vector.load %arg0[%get3A, %get3A_0] : memref<98x128xf32, #tpu.memory_space<vmem>>, vector<98x128xf32>
    %broadcast_in_dim3A = vector.shape_cast %get3A_1 : vector<98x128xf32> to vector<98x1x128xf32>
    %get3A_2 = arith.constant 0 : index
    %get3A_3 = arith.constant 0 : index
    %get3A_4 = vector.load %arg1[%get3A_2, %get3A_3] : memref<21x128xf32, #tpu.memory_space<vmem>>, vector<21x128xf32>
    %broadcast_in_dim3A_5 = vector.shape_cast %get3A_4 : vector<21x128xf32> to vector<1x21x128xf32>
    %add3A = vector.broadcast %broadcast_in_dim3A : vector<98x1x128xf32> to vector<98x21x128xf32>
    %add3A_6 = vector.broadcast %broadcast_in_dim3A_5 : vector<1x21x128xf32> to vector<98x21x128xf32>
    %add3A_7 = arith.addf %add3A, %add3A_6 : vector<98x21x128xf32>
    %swap3A = arith.constant 0 : index
    %swap3A_8 = arith.constant 0 : index
    %swap3A_9 = arith.constant 0 : index
    %swap3A_10 = vector.load %arg2[%swap3A, %swap3A_8, %swap3A_9] : memref<98x21x128xf32, #tpu.memory_space<vmem>>, vector<98x21x128xf32>
    tpu.vector_store %arg2[%swap3A, %swap3A_8, %swap3A_9], %add3A_7 {strides = array<i32>} : memref<98x21x128xf32, #tpu.memory_space<vmem>>, vector<98x21x128xf32>,
    return
  }
}

</mosaic_0001>

<sc_bundles>
// kernel: kernel.4.cloned.1.call-start
scs
__scs_entry_jumppad:
0x0: {  	(pc) =	sbr.rel $0x88, $3  }
0x1: {  	(tag) =	ssettag $0x0;
	lr =	simm.s32 $0x1  }
0x2: {  	[smem:$0x3F9C] =	sst lr;
	_ =	strace $0xD0000000  }
0x3: {  	_ = 	snop  }
0x4: {  	_ = 	snop  }
0x5: {  	_ = 	snop  }
0x6: {  	_ = 	snop  }
0x7: {  	_ = 	snop  }
__scs_overlays_trampoline_lowered:
0x8: {  	[smem:$0x3FAB] =	sst s0  }
0x9: {  	[smem:$0x3FAC] =	sst s1  }
0xa: {  	[smem:$0x3FAD] =	sst s2  }
0xb: {  	[smem:$0x3FAE] =	sst s3  }
0xc: {  	[smem:$0x3FAF] =	sst s4  }
0xd: {  	[smem:$0x3FB0] =	sst s5  }
0xe: {  	[smem:$0x3FB1] =	sst s6  }
0xf: {  	[smem:$0x3FB2] =	sst s7  }
0x10: {  	[smem:$0x3FB3] =	sst s8  }
0x11: {  	[smem:$0x3FB4] =	sst s9;
	s0 =	simm.s32 @!p0 $0x0  }
0x12: {  	s1 =	sld [smem:$0x3F9A];
	s0 =	simm.s32 @p0 $0x1  }
0x13: {  	[smem:$0x3FB5] =	sst s0;
	s0 =	simm.s32 @!p1 $0x0  }
0x14: {  	s2 =	sld [smem:$0x3F99];
	s0 =	simm.s32 @p1 $0x1  }
0x15: {  	[smem:$0x3FB6] =	sst s0;
	s0 =	simm.s32 @!p2 $0x0  }
0x16: {  	s3 =	sld [smem:$0x3FDB];
	s0 =	simm.s32 @p2 $0x1  }
0x17: {  	s4 =	simm.s32 $0x1BF5;
	[smem:$0x3FB8] =	sst s0  }
0x18: {  	s0 =	sld [smem:$0x3F9B];
	_ =	swait.ge [sflag:s4], $0x0  }
0x19: {  	s7 =	sld [smem:$0x3F9C]  }
0x1a: {  	s8 =	sadd.s32 $0xFFFFE003, lr  }
0x1b: {  	s9 =	sadd.s32 $0xFFFFFEF7, lr;
	s5 =	simm.s32 $0xFFFFFFFF;
	p2 =	slt.u32 s8, $0xFFFFF086  }
0x1c: {  	p1 =	slt.u32 s9, $0xF7A;
	s5 =	simm.s32 @!p2 $0x0  }
0x1d: {  	s5 =	simm.s32 @p1 $0x1;
	p0 =	seq.s32 s7, s2  }
0x1e: {  	s7 =	smul.u32 @!p0 $0xF7A, s2;
	p2 =	seq.s32 @!p0 s5, $0x0  }
0x1f: {  	s9 =	smul.u32 $0xF7A, s1;
	s8 =	simm.s32 @!p0 $0x1BF5;
	p2 =	por !p2, p0  }
0x20: {  	[sflag:s8] =	ssyncset.s32 @!p0 $0xFFFFF086;
	s6 =	sadd.s32 @!p0 s3, s7;
	s7 =	simm.s32 @!p0 $0x108  }
0x21: {  	s3 =	sadd.s32 s3, s9;
	s6 =	sadd.s32 @!p0 $0x88, s6;
	s7 =	simm.s32 @p2 $0x1082  }
0x22: {  	[simem:s7], [sflag:s8] =	dma.local @!p0 [hbm:s6], $0xF7A  }
0x23: {  	s9 =	sor.u32 $0xD0000000, s2;
	s6 =	simm.s32 $0x108;
	_ =	swait.ge @!p0 [sflag:s8], $0x0  }
0x24: {  	s3 =	sadd.s32 $0x88, s3;
	s6 =	simm.s32 @!p1 $0x1082;
	[sflag:s4] =	ssyncset.s32 $0xFFFFF086  }
0x25: {  	[simem:s6], [sflag:s4] =	dma.local [hbm:s3], $0xF7A  }
0x26: {  	[smem:$0x3F9C] =	sst s1;
	(tag) =	ssettag s2;
	_ =	strace s9  }
0x27: {  	s1 =	sld [smem:$0x3FAC]  }
0x28: {  	s2 =	sld [smem:$0x3FAD]  }
0x29: {  	s4 =	sld [smem:$0x3FAF]  }
0x2a: {  	p0 =	seq.s32 s5, $0x0;
	s5 =	sld [smem:$0x3FB0]  }
0x2b: {  	s6 =	sld [smem:$0x3FB1]  }
0x2c: {  	s7 =	sld [smem:$0x3FB2]  }
0x2d: {  	s3 =	simm.s32 $0x108;
	s8 =	sld [smem:$0x3FB3]  }
0x2e: {  	s3 =	simm.s32 @!p0 $0x1082;
	s9 =	sld [smem:$0x3FB4]  }
0x2f: {  	lr =	sadd.s32 s0, s3;
	s0 =	sld [smem:$0x3FAB]  }
0x30: {  	s3 =	sld [smem:$0x3FAE]  }
0x31: {  	[smem:$0x3FB7] =	sst s10  }
0x32: {  	s10 =	sld [smem:$0x3FB5];
	_ =	sdelay $0x3  }
0x33: {  	p0 =	seq.s32 s10, $0x1;
	s10 =	sld [smem:$0x3FB7];
	_ =	sdelay $0x3  }
0x34: {  	[smem:$0x3FB7] =	sst s10  }
0x35: {  	s10 =	sld [smem:$0x3FB6];
	_ =	sdelay $0x3  }
0x36: {  	p1 =	seq.s32 s10, $0x1;
	s10 =	sld [smem:$0x3FB7];
	_ =	sdelay $0x3  }
0x37: {  	[smem:$0x3FB7] =	sst s10  }
0x38: {  	s10 =	sld [smem:$0x3FB8]  }
0x39: {  	_ = 	snop;
	(pc) =	sbr.ind lr, $3  }
0x3a: {  	_ = 	snop  }
0x3b: {  	_ = 	snop  }
0x3c: {  	p2 =	seq.s32 s10, $0x1;
	s10 =	sld [smem:$0x3FB7]  }
0x3d: {  	_ =	shalt  }
0x3e: {  	_ =	shalt  }
0x3f: {  	_ =	shalt  }
0x40: {  	_ =	shalt  }
0x41: {  	_ =	shalt  }
0x42: {  	_ =	shalt  }
0x43: {  	_ =	shalt  }
0x44: {  	_ =	shalt  }
0x45: {  	_ =	shalt  }
0x46: {  	_ =	shalt  }
0x47: {  	_ =	shalt  }
0x48: {  	_ =	shalt  }
0x49: {  	_ =	shalt  }
0x4a: {  	_ =	shalt  }
0x4b: {  	_ =	shalt  }
0x4c: {  	_ =	shalt  }
0x4d: {  	_ =	shalt  }
0x4e: {  	_ =	shalt  }
0x4f: {  	_ =	shalt  }
0x50: {  	_ =	shalt  }
0x51: {  	_ =	shalt  }
0x52: {  	_ =	shalt  }
0x53: {  	_ =	shalt  }
0x54: {  	_ =	shalt  }
0x55: {  	_ =	shalt  }
0x56: {  	_ =	shalt  }
0x57: {  	_ =	shalt  }
0x58: {  	_ =	shalt  }
0x59: {  	_ =	shalt  }
0x5a: {  	_ =	shalt  }
0x5b: {  	_ =	shalt  }
0x5c: {  	_ =	shalt  }
0x5d: {  	_ =	shalt  }
0x5e: {  	_ =	shalt  }
0x5f: {  	_ =	shalt  }
0x60: {  	_ =	shalt  }
0x61: {  	_ =	shalt  }
0x62: {  	_ =	shalt  }
0x63: {  	_ =	shalt  }
0x64: {  	_ =	shalt  }
0x65: {  	_ =	shalt  }
0x66: {  	_ =	shalt  }
0x67: {  	_ =	shalt  }
0x68: {  	_ =	shalt  }
0x69: {  	_ =	shalt  }
0x6a: {  	_ =	shalt  }
0x6b: {  	_ =	shalt  }
0x6c: {  	_ =	shalt  }
0x6d: {  	_ =	shalt  }
0x6e: {  	_ =	shalt  }
0x6f: {  	_ =	shalt  }
0x70: {  	_ =	shalt  }
0x71: {  	_ =	shalt  }
0x72: {  	_ =	shalt  }
0x73: {  	_ =	shalt  }
0x74: {  	_ =	shalt  }
0x75: {  	_ =	shalt  }
0x76: {  	_ =	shalt  }
0x77: {  	_ =	shalt  }
0x78: {  	_ =	shalt  }
0x79: {  	_ =	shalt  }
0x7a: {  	_ =	shalt  }
0x7b: {  	_ =	shalt  }
0x7c: {  	_ =	shalt  }
0x7d: {  	_ =	shalt  }
0x7e: {  	_ =	shalt  }
0x7f: {  	_ =	shalt  }
0x80: {  	_ =	shalt  }
0x81: {  	_ =	shalt  }
0x82: {  	_ =	shalt  }
0x83: {  	_ =	shalt  }
0x84: {  	_ =	shalt  }
0x85: {  	_ =	shalt  }
0x86: {  	_ =	shalt  }
0x87: {  	_ =	shalt  }
.Lfunc_end0:
.L_simem_size_0:
called_computation_lowered:
.L_overlay_start_0:
0x88: {  	s2 =	sld [smem:$0x3FD9]  }
0x89: {  	s3 =	sld [smem:$0x3FFE];
	_ =	sdelay $0x1  }
0x8a: {  	s1 =	srdreg.scid  }
0x8b: {  	s0 =	sand.u32 $0x1, s1  }
0x8c: {  	s17 =	sshll.u32 s0, $0xA;
	s2 =	sadd.s32 s3, s2  }
0x8d: {  	s2 =	sadd.s32 s2, s17  }
0x8e: {  	[smem:$0x3FC3] =	sst s2  }
0x8f: {  	_ = 	snop  }
0x90: {  	s2 =	sld [smem:$0x3FC6]  }
0x91: {  	s18 =	sld [smem:$0x3FD0];
	(tm) =	ssettm $0x1  }
0x92: {  	s4 =	sld [smem:$0x3FFB];
	_ =	sdelay $0x3  }
0x93: {  	_ =	strace s4  }
0x94: {  	s4 =	sld [smem:$0x3FFC];
	_ =	sdelay $0x3  }
0x95: {  	_ =	strace s4  }
0x96: {  	s4 =	sld [smem:$0x3FFD];
	_ =	sdelay $0x3  }
0x97: {  	_ =	strace s4  }
0x98: {  	_ =	strace $0x8FFFFFFF  }
0x99: {  	s19 =	sld [smem:$0x3FDB];
	_ =	sdelay $0x1  }
0x9a: {  	s5 =	simm.s32 $_scs_section_size  }
0x9b: {  	s6 =	simm.s32 $_size__tile_overlayer_lowered;
	s7 =	simm.s32 $_tile_overlayer_lowered  }
0x9c: {  	s22 =	simm.s32 $0x1BFF;
	s21 =	sshll.u32 s7, $0x1;
	s4 =	sadd.s32 s5, s19  }
0x9d: {  	s8 =	simm.s32 $0x0;
	s20 =	sshll.u32 s6, $0x1;
	s6 =	sadd.s32 s21, s4  }
0x9e: {  	[timem:s8], [sflag:s22] =	dma.local [hbm:s6], s20  }
0x9f: {  	_ =	swait.ge [sflag:s22], s20  }
0xa0: {  	s5 =	ssub.s32 $0x0, s20;
	[sflag:s22] =	ssyncset.done $0x0  }
0xa1: {  	[sflag:s22] =	ssyncadd.s32 s5;
	_ =	sdelay $0x1  }
0xa2: {  	s23 =	simm.s32 $0x1B8B  }
0xa3: {  	_ =	swait.ge [sflag:s23], $0x1  }
0xa4: {  	[sflag:s23] =	ssyncset.done $0x0  }
0xa5: {  	s25 =	simm.s32 $0x1B8E;
	s24 =	sld [smem:$0x3FFE];
	[sflag:s23] =	ssyncadd.s32 $0xFFFFFFFF  }
0xa6: {  	s26 =	simm.s32 $execute0_lowered;
	[smem:$0x3FD2] =	sst s25  }
0xa7: {  	s6 =	sshll.u32 s26, $0x1;
	_ =	strace $0x80000046;
	[dreg:$0x1] =	wrdreg $0xFFFFFFFF  }
0xa8: {  	s28 =	simm.s32 $_size_execute0_lowered;
	s4 =	sadd.s32 s4, s6;
	[dreg:$0x0] =	wrdreg $0x0  }
0xa9: {  	s6 =	sshll.u32 s28, $0x1;
	[dreg:$0x2] =	wrdreg s4  }
0xaa: {  	[dreg:$0x3] =	wrdreg s6  }
0xab: {  	[dreg:$0x4] =	wrdreg $0xC0  }
0xac: {  	_ =	task [dreg:s8], $0x5FFFF  }
0xad: {  	[dreg:$0x1] =	wrdreg $0xFFFFFFFF  }
0xae: {  	[dreg:$0x0] =	wrdreg $0x60  }
0xaf: {  	[dreg:$0x2] =	wrdreg s18  }
0xb0: {  	[dreg:$0x3] =	wrdreg s24  }
0xb1: {  	[dreg:$0x4] =	wrdreg s2  }
0xb2: {  	[dreg:$0x5] =	wrdreg $0x9  }
0xb3: {  	_ =	task.clear_ibuf [dreg:s8], $0x6FFFF;
	_ =	strace $0x90000046  }
0xb4: {  	s29 =	simm.s32 $0x9;
	_ =	strace $0x80000048  }
0xb5: {  	_ =	swait.ge [sflag:s29], $0x1  }
0xb6: {  	[sflag:s29] =	ssyncadd.s32 $0xFFFFFFFF  }
0xb7: {  	_ =	strace $0x90000048  }
0xb8: {  	_ =	sfence  }
0xb9: {  	s30 =	sld [smem:$0x0];
	_ =	sdelay $0x2  }
0xba: {  	s31 =	sshll.u32 s1, $0xD;
	s1 =	sshrl.u32 s1, $0x2  }
0xbb: {  	s3 =	sand.u32 $0x4000, s31;
	s1 =	sadd.s32 s1, s30  }
0xbc: {  	s0 =	sor.u32 s3, s0;
	s1 =	sshll.u32 s1, $0x11  }
0xbd: {  	s0 =	sor.u32 s1, s0  }
0xbe: {  	s0 =	sadd.s32 $0x8F2B, s0  }
0xbf: {  	[sflag:s0] =	ssyncadd.remote.s32 $0x1  }
0xc0: {  	_ =	sfence.sel $0xFFFF  }
0xc1: {  	[dreg:$0x0] =	wrdreg $0xFFFFFFFF;
	(pc) =	sbr.abs _section_cstart, $3  }
0xc2: {  	[dreg:$0x1] =	wrdreg $0xFFFFFFFF  }
0xc3: {  	_ =	task.clear_ibuf [dreg:s8], $0x2FFFF;
	_ =	strace $0x9FFFFFFF  }
0xc4: {  	(tm) =	ssettm $0x7FFFFFFF  }
0xc5: {  	_ =	shalt  }
tec
execute0_lowered:
.L_overlay_start_1:
0x0: {  	(tag) =	ssettag $0x1  }
0x1: {  	s0 =	rddreg [dreg:$0x0]  }
0x2: {  	s1 =	rddreg [dreg:$0x1]  }
0x3: {  	s2 =	rddreg [dreg:$0x2]  }
0x4: {  	s4 =	srdreg.scid;
	s5 =	stileid.u32  }
0x5: {  	s3 =	simm.s32 $0x0;
	s14 =	simm.s32 $0x7;
	s15 =	simm.s32 $0x70  }
0x6: {  	s16 =	simm.s32 $0x400;
	s17 =	simm.s32 $0x600;
	s18 =	simm.s32 $0x500  }
0x7: {  	s19 =	simm.s32 $0x7600;
	s20 =	simm.s32 $0x200;
	s21 =	simm.s32 $0x480  }
0x8: {  	s22 =	simm.s32 $0x3E00;
	s28 =	simm.s32 $0x5;
	s29 =	simm.s32 $0x2  }
0x9: {  	s30 =	simm.s32 $0x4;
	s4 =	sand.u32 $0x1, s4;
	s5 =	sshll.u32 s5, $0x1  }
0xa: {  	s31 =	simm.s32 $0x6;
	[smem:$0x7FF] =	sst s3;
	s7 =	sor.u32 s4, s5  }
0xb: {  	_ =	strace $0x80000047;
	s6 =	ssub.s32 $0x2, s4;
	s8 =	smul.u32 $0x700, s7  }
0xc: {  	s4 =	sadd.s32 $0x200, s1;
	s9 =	sshrl.u32 s6, $0x1;
	s10 =	smul.u32 $0x62000, s7  }
0xd: {  	s5 =	sadd.s32 $0x8400, s1;
	s7 =	smul.u32 $0x1C, s7;
	s23 =	ssub.s32 s6, s9  }
0xe: {  	s9 =	sadd.s32 $0x80, s0;
	s6 =	sadd.s32 s0, s8;
	s24 =	sshrl.u32 s10, $0x3  }
0xf: {  	s10 =	sadd.s32 $0xC0, s0;
	s26 =	smax.u32 s23, $0x1;
	s23 =	simm.s32 $0x580  }
0x10: {  	s8 =	sadd.s32 $0x40, s6;
	s25 =	sadd.s32 s5, s24;
	[dreg:$0x7] =	wrdreg s26  }
0x11: {  	s24 =	simm.s32 $0xAE00;
	[dreg:$0x4] =	wrdreg s8;
	s8 =	sadd.s32 $0xB600, s25  }
0x12: {  	s26 =	simm.s32 $0x3;
	s0 =	sadd.s32 $0xBD00, s25;
	[dreg:$0x5] =	wrdreg s8  }
0x13: {  	s25 =	simm.s32 $0x1;
	[dreg:$0x6] =	wrdreg s0;
	s0 =	simm.s32 $0x0  }
.LBB2_1:
0x14: {  	[tilespmem:s3], [sflag:$0x7] =	stream.linear.gather [hbm4b:s6+s3], $0x180, $0x38;
	[tilespmem:$0xE600] =	vst v63  }
0x15: {  	_ =	swait.ge [sflag:s14], $0x180  }
0x16: {  	[sflag:s14] =	ssyncset.done $0x0  }
0x17: {  	[sflag:s14] =	ssyncadd.s32 $0xFFFFFE80  }
0x18: {  	v0 =	vld [tilespmem:$0x80]  }
0x19: {  	v1 =	vld [tilespmem:$0x0]  }
0x1a: {  	v2 =	vld [tilespmem:$0x100]  }
0x1b: {  	v3 =	vld [tilespmem:$0x90]  }
0x1c: {  	v4 =	vld [tilespmem:$0x10]  }
0x1d: {  	v5 =	vld [tilespmem:$0x110]  }
0x1e: {  	v6 =	vld [tilespmem:$0xA0]  }
0x1f: {  	v7 =	vld [tilespmem:$0x20]  }
0x20: {  	v8 =	vld [tilespmem:$0x120]  }
0x21: {  	v9 =	vld [tilespmem:$0xB0]  }
0x22: {  	v10 =	vld [tilespmem:$0x30]  }
0x23: {  	v11 =	vld [tilespmem:$0x130]  }
0x24: {  	v12 =	vld [tilespmem:$0xC0]  }
0x25: {  	v63 =	vld [tilespmem:$0x40]  }
0x26: {  	v14 =	vld [tilespmem:$0x140]  }
0x27: {  	v25 =	vld [tilespmem:$0x150];
	[tilespmem:$0x500] =	vst v2  }
0x28: {  	v28 =	vld [tilespmem:$0x160];
	[tilespmem:$0x510] =	vst v5  }
0x29: {  	v16 =	vld [tilespmem:$0xD0];
	vm0 =	vlt.s32 v0, $0x14;
	[tilespmem:$0x520] =	vst v8  }
0x2a: {  	v18 =	vld [tilespmem:$0x50];
	v1 =	vmul.u32 $0x15, v1;
	vm15 =	vlt.s32 v3, $0x14;
	v62 =	vmul.u32 $0x15, v4;
	[tilespmem:$0x530] =	vst v11  }
0x2b: {  	v20 =	vld [tilespmem:$0xE0];
	vm4 =	vlt.s32 v6, $0x14;
	v15 =	vmul.u32 $0x15, v7;
	vm5 =	vlt.s32 v9, $0x14;
	[tilespmem:$0x540] =	vst v14  }
0x2c: {  	v22 =	vld [tilespmem:$0x60];
	v19 =	vmul.u32 $0x15, v10;
	vm6 =	vlt.s32 v12, $0x14;
	[tilespmem:$0x550] =	vst v25;
	v0 =	vnsel vm0, $0x14, v0  }
0x2d: {  	v23 =	vmul.u32 $0x15, v63;
	[tilespmem:$0x560] =	vst v28;
	v13 =	vnsel vm15, $0x14, v3;
	v0 =	vadd.s32 v0, v1  }
0x2e: {  	vm7 =	vlt.s32 v16, $0x14;
	v17 =	vnsel vm4, $0x14, v6;
	[tilespmem:$0x400] =	vst v0;
	v0 =	vadd.s32 v13, v62  }
0x2f: {  	v26 =	vmul.u32 $0x15, v18;
	v21 =	vnsel vm5, $0x14, v9;
	[tilespmem:$0x410] =	vst v0;
	v0 =	vadd.s32 v17, v15  }
0x30: {  	vm8 =	vlt.s32 v20, $0x14;
	v24 =	vnsel vm6, $0x14, v12;
	[tilespmem:$0x420] =	vst v0;
	v0 =	vadd.s32 v21, v19  }
0x31: {  	v29 =	vmul.u32 $0x15, v22;
	v27 =	vnsel vm7, $0x14, v16;
	[tilespmem:$0x430] =	vst v0;
	v0 =	vadd.s32 v24, v23  }
0x32: {  	v30 =	vnsel vm8, $0x14, v20;
	[tilespmem:$0x440] =	vst v0;
	v0 =	vadd.s32 v27, v26  }
0x33: {  	[tilespmem:$0x450] =	vst v0;
	v0 =	vadd.s32 v30, v29  }
0x34: {  	[tilespmem:$0x460] =	vst v0  }
0x35: {  	[tilespmem:s17], [sflag:$0x1] =	stream.indirect.gather [hbm4b:s4+s15], $0x80, s16, s15, $0xb8;
	[tilespmem:$0xE600] =	vst v63  }
0x36: {  	_ = 	snop  }
0x37: {  	[tilespmem:s19], [sflag:$0x3] =	stream.indirect.gather [hbm4b:s2+s15], $0x80, s18, s15, $0xb8;
	[tilespmem:$0xE600] =	vst v63  }
0x38: {  	s1 =	rddreg [dreg:$0x4]  }
0x39: {  	[tilespmem:s20], [sflag:$0x7] =	stream.linear.gather [hbm4b:s1+s3], $0x180, $0x38;
	[tilespmem:$0xE600] =	vst v63  }
0x3a: {  	_ =	swait.ge [sflag:s14], $0x180  }
0x3b: {  	[sflag:s14] =	ssyncset.done $0x0  }
0x3c: {  	[sflag:s14] =	ssyncadd.s32 $0xFFFFFE80  }
0x3d: {  	v31 =	vld [tilespmem:$0x280]  }
0x3e: {  	v32 =	vld [tilespmem:$0x200]  }
0x3f: {  	v33 =	vld [tilespmem:$0x300]  }
0x40: {  	v34 =	vld [tilespmem:$0x290]  }
0x41: {  	v35 =	vld [tilespmem:$0x210]  }
0x42: {  	v36 =	vld [tilespmem:$0x310]  }
0x43: {  	v37 =	vld [tilespmem:$0x2A0]  }
0x44: {  	v38 =	vld [tilespmem:$0x220]  }
0x45: {  	v39 =	vld [tilespmem:$0x320]  }
0x46: {  	v40 =	vld [tilespmem:$0x2B0]  }
0x47: {  	v41 =	vld [tilespmem:$0x230]  }
0x48: {  	v42 =	vld [tilespmem:$0x330]  }
0x49: {  	v43 =	vld [tilespmem:$0x2C0]  }
0x4a: {  	v45 =	vld [tilespmem:$0x240]  }
0x4b: {  	v47 =	vld [tilespmem:$0x340]  }
0x4c: {  	v58 =	vld [tilespmem:$0x350];
	[tilespmem:$0x580] =	vst v33  }
0x4d: {  	v61 =	vld [tilespmem:$0x360];
	[tilespmem:$0x590] =	vst v36  }
0x4e: {  	v49 =	vld [tilespmem:$0x2D0];
	vm9 =	vlt.s32 v31, $0x14;
	[tilespmem:$0x5A0] =	vst v39  }
0x4f: {  	v51 =	vld [tilespmem:$0x250];
	v1 =	vmul.u32 $0x15, v32;
	vm10 =	vlt.s32 v34, $0x14;
	v44 =	vmul.u32 $0x15, v35;
	[tilespmem:$0x5B0] =	vst v42  }
0x50: {  	v53 =	vld [tilespmem:$0x2E0];
	vm11 =	vlt.s32 v37, $0x14;
	v48 =	vmul.u32 $0x15, v38;
	vm12 =	vlt.s32 v40, $0x14;
	[tilespmem:$0x5C0] =	vst v47  }
0x51: {  	v55 =	vld [tilespmem:$0x260];
	v52 =	vmul.u32 $0x15, v41;
	vm13 =	vlt.s32 v43, $0x14;
	[tilespmem:$0x5D0] =	vst v58;
	v0 =	vnsel vm9, $0x14, v31  }
0x52: {  	v56 =	vmul.u32 $0x15, v45;
	[tilespmem:$0x5E0] =	vst v61;
	v46 =	vnsel vm10, $0x14, v34;
	v0 =	vadd.s32 v0, v1  }
0x53: {  	vm14 =	vlt.s32 v49, $0x14;
	v50 =	vnsel vm11, $0x14, v37;
	[tilespmem:$0x480] =	vst v0;
	v0 =	vadd.s32 v46, v44  }
0x54: {  	v59 =	vmul.u32 $0x15, v51;
	v54 =	vnsel vm12, $0x14, v40;
	[tilespmem:$0x490] =	vst v0;
	v0 =	vadd.s32 v50, v48  }
0x55: {  	vm15 =	vlt.s32 v53, $0x14;
	v57 =	vnsel vm13, $0x14, v43;
	[tilespmem:$0x4A0] =	vst v0;
	v0 =	vadd.s32 v54, v52  }
0x56: {  	v62 =	vmul.u32 $0x15, v55;
	v60 =	vnsel vm14, $0x14, v49;
	[tilespmem:$0x4B0] =	vst v0;
	v0 =	vadd.s32 v57, v56  }
0x57: {  	v63 =	vnsel vm15, $0x14, v53;
	[tilespmem:$0x4C0] =	vst v0;
	v0 =	vadd.s32 v60, v59  }
0x58: {  	[tilespmem:$0x4D0] =	vst v0;
	v0 =	vadd.s32 v63, v62  }
0x59: {  	[tilespmem:$0x4E0] =	vst v0  }
0x5a: {  	[tilespmem:s22], [sflag:$0x2] =	stream.indirect.gather [hbm4b:s4+s15], $0x80, s21, s15, $0xb8;
	[tilespmem:$0xE600] =	vst v63  }
0x5b: {  	s1 =	simm.s32 $0x0  }
0x5c: {  	[tilespmem:s24], [sflag:$0x4] =	stream.indirect.gather [hbm4b:s2+s15], $0x80, s23, s15, $0xb8;
	[tilespmem:$0xE600] =	vst v63  }
.LBB2_2:
0x5d: {  	_ =	swait.ge [sflag:s25], $0x3800  }
0x5e: {  	[sflag:s25] =	ssyncset.done $0x0  }
0x5f: {  	[sflag:s25] =	ssyncadd.s32 $0xFFFFC800  }
0x60: {  	_ =	swait.ge [sflag:s26], $0x3800  }
0x61: {  	[sflag:s26] =	ssyncset.done $0x0  }
0x62: {  	s8 =	simm.s32 $0x0;
	s11 =	simm.s32 $0x400;
	[sflag:s26] =	ssyncadd.s32 $0xFFFFC800  }
.LBB2_3:
0x63: {  	p0 =	sne.s32 s11, $0xDC00;
	v0 =	vld [tilespmem:s8+$0x76F0]  }
0x64: {  	v1 =	vld [tilespmem:s8+$0x7600]  }
0x65: {  	v2 =	vld [tilespmem:s8+$0x7610]  }
0x66: {  	v3 =	vld [tilespmem:s8+$0x7620]  }
0x67: {  	v4 =	vld [tilespmem:s8+$0x7630]  }
0x68: {  	[tilespmem:s8+$0x6F0] =	vst.add.f32.msk $0xffff, v0  }
0x69: {  	v0 =	vld [tilespmem:s8+$0x7640]  }
0x6a: {  	v5 =	vld [tilespmem:s8+$0x7650]  }
0x6b: {  	v6 =	vld [tilespmem:s8+$0x7660]  }
0x6c: {  	v7 =	vld [tilespmem:s8+$0x7670]  }
0x6d: {  	v8 =	vld [tilespmem:s8+$0x7680]  }
0x6e: {  	v9 =	vld [tilespmem:s8+$0x7690]  }
0x6f: {  	v10 =	vld [tilespmem:s8+$0x76A0]  }
0x70: {  	v11 =	vld [tilespmem:s8+$0x76B0]  }
0x71: {  	v12 =	vld [tilespmem:s8+$0x76C0]  }
0x72: {  	v13 =	vld [tilespmem:s8+$0x76D0]  }
0x73: {  	v14 =	vld [tilespmem:s8+$0x76E0]  }
0x74: {  	[tilespmem:s8+$0x600] =	vst.add.f32.msk $0xffff, v1  }
0x75: {  	[tilespmem:s8+$0x610] =	vst.add.f32.msk $0xffff, v2  }
0x76: {  	[tilespmem:s8+$0x620] =	vst.add.f32.msk $0xffff, v3  }
0x77: {  	[tilespmem:s8+$0x630] =	vst.add.f32.msk $0xffff, v4  }
0x78: {  	[tilespmem:s8+$0x640] =	vst.add.f32.msk $0xffff, v0  }
0x79: {  	[tilespmem:s8+$0x650] =	vst.add.f32.msk $0xffff, v5  }
0x7a: {  	[tilespmem:s8+$0x660] =	vst.add.f32.msk $0xffff, v6  }
0x7b: {  	[tilespmem:s8+$0x670] =	vst.add.f32.msk $0xffff, v7  }
0x7c: {  	[tilespmem:s8+$0x680] =	vst.add.f32.msk $0xffff, v8  }
0x7d: {  	[tilespmem:s8+$0x690] =	vst.add.f32.msk $0xffff, v9  }
.Ltmp0:
0x7e: {  	[tilespmem:s8+$0x6A0] =	vst.add.f32.msk $0xffff, v10;
	(pc) =	sbr.rel @p0 .LBB2_3-.Ltmp0, $4  }
0x7f: {  	[tilespmem:s8+$0x6B0] =	vst.add.f32.msk $0xffff, v11  }
0x80: {  	[tilespmem:s8+$0x6C0] =	vst.add.f32.msk $0xffff, v12  }
0x81: {  	[tilespmem:s8+$0x6D0] =	vst.add.f32.msk $0xffff, v13  }
0x82: {  	[tilespmem:s8+$0x6E0] =	vst.add.f32.msk $0xffff, v14;
	s8 =	sshra.s32 s11, $0x2;
	s11 =	sadd.s32 $0x400, s11  }
0x83: {  	v0 =	vld [tilespmem:s8+$0x76F0]  }
0x84: {  	v1 =	vld [tilespmem:s8+$0x7600]  }
0x85: {  	v2 =	vld [tilespmem:s8+$0x7610]  }
0x86: {  	v3 =	vld [tilespmem:s8+$0x7620]  }
0x87: {  	v4 =	vld [tilespmem:s8+$0x7630]  }
0x88: {  	v30 =	vld [tilespmem:s8+$0x7640]  }
0x89: {  	v5 =	vld [tilespmem:s8+$0x7650]  }
0x8a: {  	v6 =	vld [tilespmem:s8+$0x7660]  }
0x8b: {  	v7 =	vld [tilespmem:s8+$0x7670]  }
0x8c: {  	v8 =	vld [tilespmem:s8+$0x7680]  }
0x8d: {  	v9 =	vld [tilespmem:s8+$0x7690]  }
0x8e: {  	v10 =	vld [tilespmem:s8+$0x76A0]  }
0x8f: {  	v11 =	vld [tilespmem:s8+$0x76B0]  }
0x90: {  	v12 =	vld [tilespmem:s8+$0x76C0]  }
0x91: {  	v13 =	vld [tilespmem:s8+$0x76D0]  }
0x92: {  	v14 =	vld [tilespmem:s8+$0x76E0]  }
0x93: {  	[tilespmem:s8+$0x6F0] =	vst.add.f32.msk $0xffff, v0  }
0x94: {  	[tilespmem:s8+$0x600] =	vst.add.f32.msk $0xffff, v1  }
0x95: {  	[tilespmem:s8+$0x610] =	vst.add.f32.msk $0xffff, v2  }
0x96: {  	[tilespmem:s8+$0x620] =	vst.add.f32.msk $0xffff, v3  }
0x97: {  	[tilespmem:s8+$0x630] =	vst.add.f32.msk $0xffff, v4  }
0x98: {  	[tilespmem:s8+$0x640] =	vst.add.f32.msk $0xffff, v30  }
0x99: {  	[tilespmem:s8+$0x650] =	vst.add.f32.msk $0xffff, v5  }
0x9a: {  	[tilespmem:s8+$0x660] =	vst.add.f32.msk $0xffff, v6  }
0x9b: {  	[tilespmem:s8+$0x670] =	vst.add.f32.msk $0xffff, v7  }
0x9c: {  	[tilespmem:s8+$0x680] =	vst.add.f32.msk $0xffff, v8  }
0x9d: {  	[tilespmem:s8+$0x690] =	vst.add.f32.msk $0xffff, v9  }
0x9e: {  	s11 =	sshll.u32 s1, $0x1;
	[tilespmem:s8+$0x6A0] =	vst.add.f32.msk $0xffff, v10  }
0x9f: {  	s11 =	sadd.s32 s7, s11;
	[tilespmem:s8+$0x6B0] =	vst.add.f32.msk $0xffff, v11  }
0xa0: {  	s12 =	smul.u32 $0x700, s11;
	[tilespmem:s8+$0x6C0] =	vst.add.f32.msk $0xffff, v12  }
0xa1: {  	[tilespmem:s8+$0x6D0] =	vst.add.f32.msk $0xffff, v13  }
0xa2: {  	s13 =	sadd.s32 s5, s12;
	s12 =	simm.s32 $0x0;
	[tilespmem:s8+$0x6E0] =	vst.add.f32.msk $0xffff, v14;
	s8 =	sshll.u32 s11, $0x6  }
0xa3: {  	[hbm4b:s13+s12] =	stream.linear.scatter [tilespmem:s17], [sflag:$0x5], $0x3800, $0x38;
	[tilespmem:$0xE600] =	vst v63  }
0xa4: {  	s13 =	sadd.s32 s8, s9  }
0xa5: {  	[tilespmem:s12], [sflag:$0x7] =	stream.linear.gather [hbm4b:s13+s12], $0x180, $0x38;
	[tilespmem:$0xE600] =	vst v63  }
0xa6: {  	_ =	swait.ge [sflag:s14], $0x180  }
0xa7: {  	[sflag:s14] =	ssyncset.done $0x0  }
0xa8: {  	[sflag:s14] =	ssyncadd.s32 $0xFFFFFE80  }
0xa9: {  	v31 =	vld [tilespmem:$0x80]  }
0xaa: {  	v32 =	vld [tilespmem:$0x0]  }
0xab: {  	v33 =	vld [tilespmem:$0x100]  }
0xac: {  	v34 =	vld [tilespmem:$0x90]  }
0xad: {  	v35 =	vld [tilespmem:$0x10]  }
0xae: {  	v36 =	vld [tilespmem:$0x110]  }
0xaf: {  	v37 =	vld [tilespmem:$0xA0]  }
0xb0: {  	v38 =	vld [tilespmem:$0x20]  }
0xb1: {  	v39 =	vld [tilespmem:$0x120]  }
0xb2: {  	v40 =	vld [tilespmem:$0xB0]  }
0xb3: {  	v41 =	vld [tilespmem:$0x30]  }
0xb4: {  	v42 =	vld [tilespmem:$0x130]  }
0xb5: {  	v43 =	vld [tilespmem:$0xC0]  }
0xb6: {  	v45 =	vld [tilespmem:$0x40]  }
0xb7: {  	v47 =	vld [tilespmem:$0x140]  }
0xb8: {  	v58 =	vld [tilespmem:$0x150];
	[tilespmem:$0x500] =	vst v33  }
0xb9: {  	v61 =	vld [tilespmem:$0x160];
	[tilespmem:$0x510] =	vst v36  }
0xba: {  	v49 =	vld [tilespmem:$0xD0];
	vm0 =	vlt.s32 v31, $0x14;
	[tilespmem:$0x520] =	vst v39  }
0xbb: {  	v51 =	vld [tilespmem:$0x50];
	v1 =	vmul.u32 $0x15, v32;
	vm10 =	vlt.s32 v34, $0x14;
	v44 =	vmul.u32 $0x15, v35;
	[tilespmem:$0x530] =	vst v42  }
0xbc: {  	v53 =	vld [tilespmem:$0xE0];
	vm11 =	vlt.s32 v37, $0x14;
	v48 =	vmul.u32 $0x15, v38;
	vm12 =	vlt.s32 v40, $0x14;
	[tilespmem:$0x540] =	vst v47  }
0xbd: {  	v55 =	vld [tilespmem:$0x60];
	v52 =	vmul.u32 $0x15, v41;
	vm13 =	vlt.s32 v43, $0x14;
	[tilespmem:$0x550] =	vst v58;
	v0 =	vnsel vm0, $0x14, v31  }
0xbe: {  	v56 =	vmul.u32 $0x15, v45;
	[tilespmem:$0x560] =	vst v61;
	v46 =	vnsel vm10, $0x14, v34;
	v0 =	vadd.s32 v0, v1  }
0xbf: {  	vm14 =	vlt.s32 v49, $0x14;
	v50 =	vnsel vm11, $0x14, v37;
	[tilespmem:$0x400] =	vst v0;
	v0 =	vadd.s32 v46, v44  }
0xc0: {  	v59 =	vmul.u32 $0x15, v51;
	v54 =	vnsel vm12, $0x14, v40;
	[tilespmem:$0x410] =	vst v0;
	v0 =	vadd.s32 v50, v48  }
0xc1: {  	vm15 =	vlt.s32 v53, $0x14;
	v57 =	vnsel vm13, $0x14, v43;
	[tilespmem:$0x420] =	vst v0;
	v0 =	vadd.s32 v54, v52  }
0xc2: {  	v62 =	vmul.u32 $0x15, v55;
	v60 =	vnsel vm14, $0x14, v49;
	[tilespmem:$0x430] =	vst v0;
	v0 =	vadd.s32 v57, v56  }
0xc3: {  	v63 =	vnsel vm15, $0x14, v53;
	[tilespmem:$0x440] =	vst v0;
	v0 =	vadd.s32 v60, v59  }
0xc4: {  	[tilespmem:$0x450] =	vst v0;
	v0 =	vadd.s32 v63, v62  }
0xc5: {  	[tilespmem:$0x460] =	vst v0  }
0xc6: {  	_ =	swait.ge [sflag:s28], $0x3800  }
0xc7: {  	[sflag:s28] =	ssyncset.done $0x0  }
0xc8: {  	[sflag:s28] =	ssyncadd.s32 $0xFFFFC800  }
0xc9: {  	[tilespmem:s17], [sflag:$0x1] =	stream.indirect.gather [hbm4b:s4+s15], $0x80, s16, s15, $0xb8;
	[tilespmem:$0xE600] =	vst v63  }
0xca: {  	_ = 	snop  }
0xcb: {  	[tilespmem:s19], [sflag:$0x3] =	stream.indirect.gather [hbm4b:s2+s15], $0x80, s18, s15, $0xb8;
	[tilespmem:$0xE600] =	vst v63  }
0xcc: {  	_ =	swait.ge [sflag:s29], $0x3800  }
0xcd: {  	[sflag:s29] =	ssyncset.done $0x0  }
0xce: {  	[sflag:s29] =	ssyncadd.s32 $0xFFFFC800  }
0xcf: {  	_ =	swait.ge [sflag:s30], $0x3800  }
0xd0: {  	[sflag:s30] =	ssyncset.done $0x0  }
0xd1: {  	s12 =	simm.s32 $0x0;
	s13 =	simm.s32 $0x400;
	[sflag:s30] =	ssyncadd.s32 $0xFFFFC800  }
.LBB2_5:
0xd2: {  	p0 =	sne.s32 s13, $0xDC00;
	v0 =	vld [tilespmem:s12+$0xAEF0]  }
0xd3: {  	v1 =	vld [tilespmem:s12+$0xAE00]  }
0xd4: {  	v2 =	vld [tilespmem:s12+$0xAE10]  }
0xd5: {  	v3 =	vld [tilespmem:s12+$0xAE20]  }
0xd6: {  	v4 =	vld [tilespmem:s12+$0xAE30]  }
0xd7: {  	[tilespmem:s12+$0x3EF0] =	vst.add.f32.msk $0xffff, v0  }
0xd8: {  	v0 =	vld [tilespmem:s12+$0xAE40]  }
0xd9: {  	v5 =	vld [tilespmem:s12+$0xAE50]  }
0xda: {  	v6 =	vld [tilespmem:s12+$0xAE60]  }
0xdb: {  	v7 =	vld [tilespmem:s12+$0xAE70]  }
0xdc: {  	v8 =	vld [tilespmem:s12+$0xAE80]  }
0xdd: {  	v9 =	vld [tilespmem:s12+$0xAE90]  }
0xde: {  	v10 =	vld [tilespmem:s12+$0xAEA0]  }
0xdf: {  	v11 =	vld [tilespmem:s12+$0xAEB0]  }
0xe0: {  	v12 =	vld [tilespmem:s12+$0xAEC0]  }
0xe1: {  	v13 =	vld [tilespmem:s12+$0xAED0]  }
0xe2: {  	v14 =	vld [tilespmem:s12+$0xAEE0]  }
0xe3: {  	[tilespmem:s12+$0x3E00] =	vst.add.f32.msk $0xffff, v1  }
0xe4: {  	[tilespmem:s12+$0x3E10] =	vst.add.f32.msk $0xffff, v2  }
0xe5: {  	[tilespmem:s12+$0x3E20] =	vst.add.f32.msk $0xffff, v3  }
0xe6: {  	[tilespmem:s12+$0x3E30] =	vst.add.f32.msk $0xffff, v4  }
0xe7: {  	[tilespmem:s12+$0x3E40] =	vst.add.f32.msk $0xffff, v0  }
0xe8: {  	[tilespmem:s12+$0x3E50] =	vst.add.f32.msk $0xffff, v5  }
0xe9: {  	[tilespmem:s12+$0x3E60] =	vst.add.f32.msk $0xffff, v6  }
0xea: {  	[tilespmem:s12+$0x3E70] =	vst.add.f32.msk $0xffff, v7  }
0xeb: {  	[tilespmem:s12+$0x3E80] =	vst.add.f32.msk $0xffff, v8  }
0xec: {  	[tilespmem:s12+$0x3E90] =	vst.add.f32.msk $0xffff, v9  }
.Ltmp1:
0xed: {  	[tilespmem:s12+$0x3EA0] =	vst.add.f32.msk $0xffff, v10;
	(pc) =	sbr.rel @p0 .LBB2_5-.Ltmp1, $4  }
0xee: {  	[tilespmem:s12+$0x3EB0] =	vst.add.f32.msk $0xffff, v11  }
0xef: {  	[tilespmem:s12+$0x3EC0] =	vst.add.f32.msk $0xffff, v12  }
0xf0: {  	[tilespmem:s12+$0x3ED0] =	vst.add.f32.msk $0xffff, v13  }
0xf1: {  	[tilespmem:s12+$0x3EE0] =	vst.add.f32.msk $0xffff, v14;
	s12 =	sshra.s32 s13, $0x2;
	s13 =	sadd.s32 $0x400, s13  }
0xf2: {  	v0 =	vld [tilespmem:s12+$0xAEF0]  }
0xf3: {  	v1 =	vld [tilespmem:s12+$0xAE00]  }
0xf4: {  	v2 =	vld [tilespmem:s12+$0xAE10]  }
0xf5: {  	v3 =	vld [tilespmem:s12+$0xAE20]  }
0xf6: {  	v4 =	vld [tilespmem:s12+$0xAE30]  }
0xf7: {  	v30 =	vld [tilespmem:s12+$0xAE40]  }
0xf8: {  	v5 =	vld [tilespmem:s12+$0xAE50]  }
0xf9: {  	v6 =	vld [tilespmem:s12+$0xAE60]  }
0xfa: {  	v7 =	vld [tilespmem:s12+$0xAE70]  }
0xfb: {  	v8 =	vld [tilespmem:s12+$0xAE80]  }
0xfc: {  	v9 =	vld [tilespmem:s12+$0xAE90]  }
0xfd: {  	v10 =	vld [tilespmem:s12+$0xAEA0]  }
0xfe: {  	v11 =	vld [tilespmem:s12+$0xAEB0]  }
0xff: {  	v12 =	vld [tilespmem:s12+$0xAEC0]  }
0x100: {  	v13 =	vld [tilespmem:s12+$0xAED0]  }
0x101: {  	v14 =	vld [tilespmem:s12+$0xAEE0]  }
0x102: {  	[tilespmem:s12+$0x3EF0] =	vst.add.f32.msk $0xffff, v0  }
0x103: {  	[tilespmem:s12+$0x3E00] =	vst.add.f32.msk $0xffff, v1  }
0x104: {  	[tilespmem:s12+$0x3E10] =	vst.add.f32.msk $0xffff, v2  }
0x105: {  	[tilespmem:s12+$0x3E20] =	vst.add.f32.msk $0xffff, v3  }
0x106: {  	[tilespmem:s12+$0x3E30] =	vst.add.f32.msk $0xffff, v4  }
0x107: {  	[tilespmem:s12+$0x3E40] =	vst.add.f32.msk $0xffff, v30  }
0x108: {  	[tilespmem:s12+$0x3E50] =	vst.add.f32.msk $0xffff, v5  }
0x109: {  	[tilespmem:s12+$0x3E60] =	vst.add.f32.msk $0xffff, v6  }
0x10a: {  	[tilespmem:s12+$0x3E70] =	vst.add.f32.msk $0xffff, v7  }
0x10b: {  	[tilespmem:s12+$0x3E80] =	vst.add.f32.msk $0xffff, v8  }
0x10c: {  	[tilespmem:s12+$0x3E90] =	vst.add.f32.msk $0xffff, v9  }
0x10d: {  	s11 =	smul.u32 $0x3800, s11;
	[tilespmem:s12+$0x3EA0] =	vst.add.f32.msk $0xffff, v10  }
0x10e: {  	[tilespmem:s12+$0x3EB0] =	vst.add.f32.msk $0xffff, v11  }
0x10f: {  	s11 =	sshrl.u32 s11, $0x3;
	[tilespmem:s12+$0x3EC0] =	vst.add.f32.msk $0xffff, v12  }
0x110: {  	s11 =	sadd.s32 s5, s11;
	[tilespmem:s12+$0x3ED0] =	vst.add.f32.msk $0xffff, v13  }
0x111: {  	s11 =	sadd.s32 $0x700, s11;
	[tilespmem:s12+$0x3EE0] =	vst.add.f32.msk $0xffff, v14  }
0x112: {  	[hbm4b:s11+s3] =	stream.linear.scatter [tilespmem:s22], [sflag:$0x6], $0x3800, $0x38;
	[tilespmem:$0xE600] =	vst v63  }
0x113: {  	s8 =	sadd.s32 s8, s10  }
0x114: {  	[tilespmem:s20], [sflag:$0x7] =	stream.linear.gather [hbm4b:s8+s3], $0x180, $0x38;
	[tilespmem:$0xE600] =	vst v63  }
0x115: {  	_ =	swait.ge [sflag:s14], $0x180  }
0x116: {  	[sflag:s14] =	ssyncset.done $0x0  }
0x117: {  	[sflag:s14] =	ssyncadd.s32 $0xFFFFFE80  }
0x118: {  	v31 =	vld [tilespmem:$0x280]  }
0x119: {  	v32 =	vld [tilespmem:$0x200]  }
0x11a: {  	v33 =	vld [tilespmem:$0x300]  }
0x11b: {  	v34 =	vld [tilespmem:$0x290]  }
0x11c: {  	v35 =	vld [tilespmem:$0x210]  }
0x11d: {  	v36 =	vld [tilespmem:$0x310]  }
0x11e: {  	v37 =	vld [tilespmem:$0x2A0]  }
0x11f: {  	v38 =	vld [tilespmem:$0x220]  }
0x120: {  	v39 =	vld [tilespmem:$0x320]  }
0x121: {  	v40 =	vld [tilespmem:$0x2B0]  }
0x122: {  	v41 =	vld [tilespmem:$0x230]  }
0x123: {  	v42 =	vld [tilespmem:$0x330]  }
0x124: {  	v43 =	vld [tilespmem:$0x2C0]  }
0x125: {  	v45 =	vld [tilespmem:$0x240]  }
0x126: {  	v47 =	vld [tilespmem:$0x340]  }
0x127: {  	v58 =	vld [tilespmem:$0x350];
	[tilespmem:$0x580] =	vst v33  }
0x128: {  	v61 =	vld [tilespmem:$0x360];
	[tilespmem:$0x590] =	vst v36  }
0x129: {  	v49 =	vld [tilespmem:$0x2D0];
	vm0 =	vlt.s32 v31, $0x14;
	[tilespmem:$0x5A0] =	vst v39  }
0x12a: {  	v51 =	vld [tilespmem:$0x250];
	v1 =	vmul.u32 $0x15, v32;
	vm10 =	vlt.s32 v34, $0x14;
	v44 =	vmul.u32 $0x15, v35;
	[tilespmem:$0x5B0] =	vst v42  }
0x12b: {  	v53 =	vld [tilespmem:$0x2E0];
	vm11 =	vlt.s32 v37, $0x14;
	v48 =	vmul.u32 $0x15, v38;
	vm12 =	vlt.s32 v40, $0x14;
	[tilespmem:$0x5C0] =	vst v47  }
0x12c: {  	v55 =	vld [tilespmem:$0x260];
	v52 =	vmul.u32 $0x15, v41;
	vm13 =	vlt.s32 v43, $0x14;
	[tilespmem:$0x5D0] =	vst v58;
	v0 =	vnsel vm0, $0x14, v31  }
0x12d: {  	v56 =	vmul.u32 $0x15, v45;
	[tilespmem:$0x5E0] =	vst v61;
	v46 =	vnsel vm10, $0x14, v34;
	v0 =	vadd.s32 v0, v1  }
0x12e: {  	vm14 =	vlt.s32 v49, $0x14;
	v50 =	vnsel vm11, $0x14, v37;
	[tilespmem:$0x480] =	vst v0;
	v0 =	vadd.s32 v46, v44  }
0x12f: {  	v59 =	vmul.u32 $0x15, v51;
	v54 =	vnsel vm12, $0x14, v40;
	[tilespmem:$0x490] =	vst v0;
	v0 =	vadd.s32 v50, v48  }
0x130: {  	vm15 =	vlt.s32 v53, $0x14;
	v57 =	vnsel vm13, $0x14, v43;
	[tilespmem:$0x4A0] =	vst v0;
	v0 =	vadd.s32 v54, v52  }
0x131: {  	v62 =	vmul.u32 $0x15, v55;
	v60 =	vnsel vm14, $0x14, v49;
	[tilespmem:$0x4B0] =	vst v0;
	v0 =	vadd.s32 v57, v56  }
0x132: {  	v63 =	vnsel vm15, $0x14, v53;
	[tilespmem:$0x4C0] =	vst v0;
	v0 =	vadd.s32 v60, v59  }
0x133: {  	[tilespmem:$0x4D0] =	vst v0;
	v0 =	vadd.s32 v63, v62  }
0x134: {  	s1 =	sadd.s32 $0x1, s1;
	[tilespmem:$0x4E0] =	vst v0  }
0x135: {  	p0 =	sne.s32 s1, $0xD;
	_ =	swait.ge [sflag:s31], $0x3800  }
.Ltmp2:
0x136: {  	[sflag:s31] =	ssyncset.done $0x0;
	(pc) =	sbr.rel @p0 .LBB2_2-.Ltmp2, $4  }
0x137: {  	[sflag:s31] =	ssyncadd.s32 $0xFFFFC800  }
0x138: {  	[tilespmem:s22], [sflag:$0x2] =	stream.indirect.gather [hbm4b:s4+s15], $0x80, s21, s15, $0xb8;
	[tilespmem:$0xE600] =	vst v63  }
0x139: {  	_ = 	snop  }
0x13a: {  	[tilespmem:s24], [sflag:$0x4] =	stream.indirect.gather [hbm4b:s2+s15], $0x80, s23, s15, $0xb8;
	[tilespmem:$0xE600] =	vst v63  }
0x13b: {  	_ =	swait.ge [sflag:s25], $0x3800  }
0x13c: {  	[sflag:s25] =	ssyncset.done $0x0  }
0x13d: {  	[sflag:s25] =	ssyncadd.s32 $0xFFFFC800  }
0x13e: {  	_ =	swait.ge [sflag:s26], $0x3800  }
0x13f: {  	[sflag:s26] =	ssyncset.done $0x0  }
0x140: {  	s1 =	simm.s32 $0x0;
	s8 =	simm.s32 $0x400;
	[sflag:s26] =	ssyncadd.s32 $0xFFFFC800  }
.LBB2_8:
0x141: {  	p0 =	sne.s32 s8, $0xDC00;
	v0 =	vld [tilespmem:s1+$0x76F0]  }
0x142: {  	v1 =	vld [tilespmem:s1+$0x7600]  }
0x143: {  	v2 =	vld [tilespmem:s1+$0x7610]  }
0x144: {  	v3 =	vld [tilespmem:s1+$0x7620]  }
0x145: {  	v4 =	vld [tilespmem:s1+$0x7630]  }
0x146: {  	[tilespmem:s1+$0x6F0] =	vst.add.f32.msk $0xffff, v0  }
0x147: {  	v0 =	vld [tilespmem:s1+$0x7640]  }
0x148: {  	v5 =	vld [tilespmem:s1+$0x7650]  }
0x149: {  	v6 =	vld [tilespmem:s1+$0x7660]  }
0x14a: {  	v7 =	vld [tilespmem:s1+$0x7670]  }
0x14b: {  	v8 =	vld [tilespmem:s1+$0x7680]  }
0x14c: {  	v9 =	vld [tilespmem:s1+$0x7690]  }
0x14d: {  	v10 =	vld [tilespmem:s1+$0x76A0]  }
0x14e: {  	v11 =	vld [tilespmem:s1+$0x76B0]  }
0x14f: {  	v12 =	vld [tilespmem:s1+$0x76C0]  }
0x150: {  	v13 =	vld [tilespmem:s1+$0x76D0]  }
0x151: {  	v14 =	vld [tilespmem:s1+$0x76E0]  }
0x152: {  	[tilespmem:s1+$0x600] =	vst.add.f32.msk $0xffff, v1  }
0x153: {  	[tilespmem:s1+$0x610] =	vst.add.f32.msk $0xffff, v2  }
0x154: {  	[tilespmem:s1+$0x620] =	vst.add.f32.msk $0xffff, v3  }
0x155: {  	[tilespmem:s1+$0x630] =	vst.add.f32.msk $0xffff, v4  }
0x156: {  	[tilespmem:s1+$0x640] =	vst.add.f32.msk $0xffff, v0  }
0x157: {  	[tilespmem:s1+$0x650] =	vst.add.f32.msk $0xffff, v5  }
0x158: {  	[tilespmem:s1+$0x660] =	vst.add.f32.msk $0xffff, v6  }
0x159: {  	[tilespmem:s1+$0x670] =	vst.add.f32.msk $0xffff, v7  }
0x15a: {  	[tilespmem:s1+$0x680] =	vst.add.f32.msk $0xffff, v8  }
0x15b: {  	[tilespmem:s1+$0x690] =	vst.add.f32.msk $0xffff, v9  }
.Ltmp3:
0x15c: {  	[tilespmem:s1+$0x6A0] =	vst.add.f32.msk $0xffff, v10;
	(pc) =	sbr.rel @p0 .LBB2_8-.Ltmp3, $4  }
0x15d: {  	[tilespmem:s1+$0x6B0] =	vst.add.f32.msk $0xffff, v11  }
0x15e: {  	[tilespmem:s1+$0x6C0] =	vst.add.f32.msk $0xffff, v12  }
0x15f: {  	[tilespmem:s1+$0x6D0] =	vst.add.f32.msk $0xffff, v13  }
0x160: {  	[tilespmem:s1+$0x6E0] =	vst.add.f32.msk $0xffff, v14;
	s1 =	sshra.s32 s8, $0x2;
	s8 =	sadd.s32 $0x400, s8  }
0x161: {  	v0 =	vld [tilespmem:s1+$0x76F0]  }
0x162: {  	v1 =	vld [tilespmem:s1+$0x7600]  }
0x163: {  	v2 =	vld [tilespmem:s1+$0x7610]  }
0x164: {  	v3 =	vld [tilespmem:s1+$0x7620]  }
0x165: {  	v4 =	vld [tilespmem:s1+$0x7630]  }
0x166: {  	v63 =	vld [tilespmem:s1+$0x7640]  }
0x167: {  	v5 =	vld [tilespmem:s1+$0x7650]  }
0x168: {  	v6 =	vld [tilespmem:s1+$0x7660]  }
0x169: {  	v7 =	vld [tilespmem:s1+$0x7670]  }
0x16a: {  	v8 =	vld [tilespmem:s1+$0x7680]  }
0x16b: {  	v9 =	vld [tilespmem:s1+$0x7690]  }
0x16c: {  	v10 =	vld [tilespmem:s1+$0x76A0]  }
0x16d: {  	v11 =	vld [tilespmem:s1+$0x76B0]  }
0x16e: {  	v12 =	vld [tilespmem:s1+$0x76C0]  }
0x16f: {  	v13 =	vld [tilespmem:s1+$0x76D0]  }
0x170: {  	v14 =	vld [tilespmem:s1+$0x76E0]  }
0x171: {  	[tilespmem:s1+$0x6F0] =	vst.add.f32.msk $0xffff, v0  }
0x172: {  	[tilespmem:s1+$0x600] =	vst.add.f32.msk $0xffff, v1  }
0x173: {  	[tilespmem:s1+$0x610] =	vst.add.f32.msk $0xffff, v2  }
0x174: {  	[tilespmem:s1+$0x620] =	vst.add.f32.msk $0xffff, v3  }
0x175: {  	[tilespmem:s1+$0x630] =	vst.add.f32.msk $0xffff, v4  }
0x176: {  	[tilespmem:s1+$0x640] =	vst.add.f32.msk $0xffff, v63  }
0x177: {  	[tilespmem:s1+$0x650] =	vst.add.f32.msk $0xffff, v5  }
0x178: {  	[tilespmem:s1+$0x660] =	vst.add.f32.msk $0xffff, v6  }
0x179: {  	[tilespmem:s1+$0x670] =	vst.add.f32.msk $0xffff, v7  }
0x17a: {  	[tilespmem:s1+$0x680] =	vst.add.f32.msk $0xffff, v8  }
0x17b: {  	[tilespmem:s1+$0x690] =	vst.add.f32.msk $0xffff, v9  }
0x17c: {  	[tilespmem:s1+$0x6A0] =	vst.add.f32.msk $0xffff, v10  }
0x17d: {  	[tilespmem:s1+$0x6B0] =	vst.add.f32.msk $0xffff, v11  }
0x17e: {  	[tilespmem:s1+$0x6C0] =	vst.add.f32.msk $0xffff, v12  }
0x17f: {  	[tilespmem:s1+$0x6D0] =	vst.add.f32.msk $0xffff, v13  }
0x180: {  	s13 =	simm.s32 $0x0;
	s8 =	rddreg [dreg:$0x5];
	[tilespmem:s1+$0x6E0] =	vst.add.f32.msk $0xffff, v14  }
0x181: {  	[hbm4b:s8+s13] =	stream.linear.scatter [tilespmem:s17], [sflag:$0x5], $0x3800, $0x38;
	[tilespmem:$0xE600] =	vst v63  }
0x182: {  	_ =	swait.ge [sflag:s29], $0x3800  }
0x183: {  	[sflag:s29] =	ssyncset.done $0x0  }
0x184: {  	[sflag:s29] =	ssyncadd.s32 $0xFFFFC800  }
0x185: {  	_ =	swait.ge [sflag:s30], $0x3800  }
0x186: {  	[sflag:s30] =	ssyncset.done $0x0  }
0x187: {  	s1 =	simm.s32 $0x0;
	s8 =	simm.s32 $0x400;
	[sflag:s30] =	ssyncadd.s32 $0xFFFFC800  }
.LBB2_10:
0x188: {  	p0 =	sne.s32 s8, $0xDC00;
	v0 =	vld [tilespmem:s1+$0xAEF0]  }
0x189: {  	v1 =	vld [tilespmem:s1+$0xAE00]  }
0x18a: {  	v2 =	vld [tilespmem:s1+$0xAE10]  }
0x18b: {  	v3 =	vld [tilespmem:s1+$0xAE20]  }
0x18c: {  	v4 =	vld [tilespmem:s1+$0xAE30]  }
0x18d: {  	[tilespmem:s1+$0x3EF0] =	vst.add.f32.msk $0xffff, v0  }
0x18e: {  	v0 =	vld [tilespmem:s1+$0xAE40]  }
0x18f: {  	v5 =	vld [tilespmem:s1+$0xAE50]  }
0x190: {  	v6 =	vld [tilespmem:s1+$0xAE60]  }
0x191: {  	v7 =	vld [tilespmem:s1+$0xAE70]  }
0x192: {  	v8 =	vld [tilespmem:s1+$0xAE80]  }
0x193: {  	v9 =	vld [tilespmem:s1+$0xAE90]  }
0x194: {  	v10 =	vld [tilespmem:s1+$0xAEA0]  }
0x195: {  	v11 =	vld [tilespmem:s1+$0xAEB0]  }
0x196: {  	v12 =	vld [tilespmem:s1+$0xAEC0]  }
0x197: {  	v13 =	vld [tilespmem:s1+$0xAED0]  }
0x198: {  	v14 =	vld [tilespmem:s1+$0xAEE0]  }
0x199: {  	[tilespmem:s1+$0x3E00] =	vst.add.f32.msk $0xffff, v1  }
0x19a: {  	[tilespmem:s1+$0x3E10] =	vst.add.f32.msk $0xffff, v2  }
0x19b: {  	[tilespmem:s1+$0x3E20] =	vst.add.f32.msk $0xffff, v3  }
0x19c: {  	[tilespmem:s1+$0x3E30] =	vst.add.f32.msk $0xffff, v4  }
0x19d: {  	[tilespmem:s1+$0x3E40] =	vst.add.f32.msk $0xffff, v0  }
0x19e: {  	[tilespmem:s1+$0x3E50] =	vst.add.f32.msk $0xffff, v5  }
0x19f: {  	[tilespmem:s1+$0x3E60] =	vst.add.f32.msk $0xffff, v6  }
0x1a0: {  	[tilespmem:s1+$0x3E70] =	vst.add.f32.msk $0xffff, v7  }
0x1a1: {  	[tilespmem:s1+$0x3E80] =	vst.add.f32.msk $0xffff, v8  }
0x1a2: {  	[tilespmem:s1+$0x3E90] =	vst.add.f32.msk $0xffff, v9  }
.Ltmp4:
0x1a3: {  	[tilespmem:s1+$0x3EA0] =	vst.add.f32.msk $0xffff, v10;
	(pc) =	sbr.rel @p0 .LBB2_10-.Ltmp4, $4  }
0x1a4: {  	[tilespmem:s1+$0x3EB0] =	vst.add.f32.msk $0xffff, v11  }
0x1a5: {  	[tilespmem:s1+$0x3EC0] =	vst.add.f32.msk $0xffff, v12  }
0x1a6: {  	[tilespmem:s1+$0x3ED0] =	vst.add.f32.msk $0xffff, v13  }
0x1a7: {  	[tilespmem:s1+$0x3EE0] =	vst.add.f32.msk $0xffff, v14;
	s1 =	sshra.s32 s8, $0x2;
	s8 =	sadd.s32 $0x400, s8  }
0x1a8: {  	v0 =	vld [tilespmem:s1+$0xAEF0]  }
0x1a9: {  	v1 =	vld [tilespmem:s1+$0xAE00]  }
0x1aa: {  	v2 =	vld [tilespmem:s1+$0xAE10]  }
0x1ab: {  	v3 =	vld [tilespmem:s1+$0xAE20]  }
0x1ac: {  	v4 =	vld [tilespmem:s1+$0xAE30]  }
0x1ad: {  	v63 =	vld [tilespmem:s1+$0xAE40]  }
0x1ae: {  	v5 =	vld [tilespmem:s1+$0xAE50]  }
0x1af: {  	v6 =	vld [tilespmem:s1+$0xAE60]  }
0x1b0: {  	v7 =	vld [tilespmem:s1+$0xAE70]  }
0x1b1: {  	v8 =	vld [tilespmem:s1+$0xAE80]  }
0x1b2: {  	v9 =	vld [tilespmem:s1+$0xAE90]  }
0x1b3: {  	v10 =	vld [tilespmem:s1+$0xAEA0]  }
0x1b4: {  	v11 =	vld [tilespmem:s1+$0xAEB0]  }
0x1b5: {  	v12 =	vld [tilespmem:s1+$0xAEC0]  }
0x1b6: {  	v13 =	vld [tilespmem:s1+$0xAED0]  }
0x1b7: {  	v14 =	vld [tilespmem:s1+$0xAEE0]  }
0x1b8: {  	[tilespmem:s1+$0x3EF0] =	vst.add.f32.msk $0xffff, v0  }
0x1b9: {  	[tilespmem:s1+$0x3E00] =	vst.add.f32.msk $0xffff, v1  }
0x1ba: {  	[tilespmem:s1+$0x3E10] =	vst.add.f32.msk $0xffff, v2  }
0x1bb: {  	[tilespmem:s1+$0x3E20] =	vst.add.f32.msk $0xffff, v3  }
0x1bc: {  	[tilespmem:s1+$0x3E30] =	vst.add.f32.msk $0xffff, v4  }
0x1bd: {  	[tilespmem:s1+$0x3E40] =	vst.add.f32.msk $0xffff, v63  }
0x1be: {  	[tilespmem:s1+$0x3E50] =	vst.add.f32.msk $0xffff, v5  }
0x1bf: {  	[tilespmem:s1+$0x3E60] =	vst.add.f32.msk $0xffff, v6  }
0x1c0: {  	[tilespmem:s1+$0x3E70] =	vst.add.f32.msk $0xffff, v7  }
0x1c1: {  	[tilespmem:s1+$0x3E80] =	vst.add.f32.msk $0xffff, v8  }
0x1c2: {  	[tilespmem:s1+$0x3E90] =	vst.add.f32.msk $0xffff, v9  }
0x1c3: {  	[tilespmem:s1+$0x3EA0] =	vst.add.f32.msk $0xffff, v10  }
0x1c4: {  	[tilespmem:s1+$0x3EB0] =	vst.add.f32.msk $0xffff, v11  }
0x1c5: {  	[tilespmem:s1+$0x3EC0] =	vst.add.f32.msk $0xffff, v12  }
0x1c6: {  	[tilespmem:s1+$0x3ED0] =	vst.add.f32.msk $0xffff, v13  }
0x1c7: {  	s12 =	rddreg [dreg:$0x6];
	[tilespmem:s1+$0x3EE0] =	vst.add.f32.msk $0xffff, v14  }
0x1c8: {  	[hbm4b:s12+s3] =	stream.linear.scatter [tilespmem:s22], [sflag:$0x6], $0x3800, $0x38;
	[tilespmem:$0xE600] =	vst v63  }
0x1c9: {  	_ =	swait.ge [sflag:s28], $0x3800  }
0x1ca: {  	[sflag:s28] =	ssyncset.done $0x0  }
0x1cb: {  	[sflag:s28] =	ssyncadd.s32 $0xFFFFC800  }
0x1cc: {  	_ =	swait.ge [sflag:s31], $0x3800  }
0x1cd: {  	s0 =	sadd.s32 $0x1, s0;
	s13 =	rddreg [dreg:$0x7]  }
0x1ce: {  	p0 =	sne.s32 s0, s13  }
.Ltmp5:
0x1cf: {  	_ = 	snop;
	(pc) =	sbr.rel @p0 .LBB2_1-.Ltmp5, $3  }
0x1d0: {  	_ =	sdelay $0x1  }
0x1d1: {  	[sflag:s31] =	ssyncset.done $0x0  }
0x1d2: {  	[sflag:s31] =	ssyncadd.s32 $0xFFFFC800  }
0x1d3: {  	_ =	sfence.sel $0x180000  }
0x1d4: {  	[bflag:$0x0] =	sbarrier.arrive $0xFFFF  }
0x1d5: {  	_ =	strace $0x90000047  }
0x1d6: {  	s0 =	stileid.u32;
	[bflag:$0x2] =	sbarrier.arrive $0xFFFF  }
0x1d7: {  	p0 =	sne.s32 s0, $0x0;
	s0 =	rddreg [dreg:$0x3]  }
0x1d8: {  	s0 =	sadd.s32 @!p0 $0x100000, s0  }
0x1d9: {  	[sflag:s0] =	ssyncadd.tile.s32 @!p0 $0x1;
	_ =	shalt  }
.Lfunc_end2:
_tile_overlayer_lowered:
.L_overlay_start_2:
0x1da: {  	(tag) =	ssettag $0x2  }
0x1db: {  	s0 =	rddreg [dreg:$0x0];
	s2 =	stileid.u32  }
0x1dc: {  	s1 =	rddreg [dreg:$0x1];
	p0 =	sne.s32 s2, $0x0  }
0x1dd: {  	s3 =	rddreg [dreg:$0x2];
	[bflag:$0x3] =	sbarrier.arrive $0xFFFF;
	s2 =	simm.s32 @!p0 $0x1C07  }
0x1de: {  	[timem:s3], [sflag:s2] =	dma.local @!p0 [hbm:s0], s1  }
0x1df: {  	s0 =	simm.s32 @!p0 $0x7  }
0x1e0: {  	_ =	swait.ge @!p0 [sflag:s0], s1  }
0x1e1: {  	s1 =	ssub.s32 @!p0 $0x0, s1;
	[sflag:s0] =	ssyncset.done @!p0 $0x0  }
0x1e2: {  	[sflag:s0] =	ssyncadd.s32 @!p0 s1  }
0x1e3: {  	[bflag:$0x3] =	sbarrier.arrive $0xFFFF  }
0x1e4: {  	_ =	shalt  }

</sc_bundles>
